<compile_context>
chip_gen: v7x
topology: tpu7x:2x2x1
jax: 0.10.2.dev20260603
libtpu: 0.0.44.dev20260713+nightly
codegen_flags: <defaults>
</compile_context>

<pallas_src>
import functools
import math

import jax
import jax.numpy as jnp
import numpy as np
from jax import lax
from jax.experimental import pallas as pl
from jax.experimental.pallas import tpu as pltpu
from jax.experimental.pallas import tpu_sc as plsc

N = 10000
E = 160000
NUM_ATOM_TYPES = 4
ATOM_EMB = 32
MUL_OUT = 16
NUM_BASIS = 32
HIDDEN = 32
MAX_RADIUS = 2.5
OUT_DIM = 144
TDIM = 128
GDIM = 48
PDIM = 16

NC, NS = 2, 16
NW = NC * NS
E1 = 96000
CG = 200
CS = 200
SGA = 640
SGB = N - (NS - 1) * SGA
ZR = 40

BE = 4000
KDIM = HIDDEN * ATOM_EMB

_DEGS = (1, 3, 5)
_SH_OFF = (0, 1, 4)


def _layout_maps():
    col_src = []
    perm = np.zeros((OUT_DIM, OUT_DIM), np.float32)
    base = 0
    for l, deg in enumerate(_DEGS):
        for m in range(deg):
            for v in range(MUL_OUT):
                colp = base + m * MUL_OUT + v
                col = base + v * deg + m
                col_src.append(l * MUL_OUT + v)
                perm[colp, col] = 1.0
        base += deg * MUL_OUT
    return np.array(col_src, np.int32), perm


_COL_SRC, _PERM = _layout_maps()


def _build_expanders():
    rh = np.zeros((HIDDEN, KDIM), np.float32)
    rx = np.zeros((ATOM_EMB, KDIM), np.float32)
    for k in range(HIDDEN):
        for u in range(ATOM_EMB):
            rh[k, k * ATOM_EMB + u] = 1.0
            rx[u, k * ATOM_EMB + u] = 1.0
    q = np.zeros((9, 256), np.float32)
    for j in range(9):
        q[j, j * MUL_OUT:(j + 1) * MUL_OUT] = 1.0
    return rh, rx, q


_RH, _RX, _Q256 = _build_expanders()



def _embed_body(z_ref, pos_ref, we_ref, be_ref, t_ref):
    x = jnp.dot(z_ref[...], we_ref[...], preferred_element_type=jnp.float32)
    x = x + be_ref[...]
    pos = pos_ref[...]
    zpad = jnp.zeros((N, TDIM - ATOM_EMB - 3), jnp.float32)
    t_ref[...] = jnp.concatenate([x, pos, zpad], axis=1)


_embed_call = pl.pallas_call(
    _embed_body,
    out_shape=jax.ShapeDtypeStruct((N, TDIM), jnp.float32),
)


@functools.cache
def _make_sc_kernels(ec):
    epw = ec // NW
    eps = ec // NS
    mesh = plsc.VectorSubcoreMesh(core_axis_name="c", subcore_axis_name="s",
                                  num_cores=NC, num_subcores=NS)

    @functools.partial(
        pl.kernel,
        out_type=jax.ShapeDtypeStruct((ec, TDIM), jnp.float32),
        mesh=mesh,
        scratch_types=[pltpu.VMEM((CG,), jnp.int32),
                       pltpu.VMEM((CG,), jnp.int32),
                       pltpu.VMEM((CG, TDIM), jnp.float32),
                       pltpu.VMEM((CG, TDIM), jnp.float32),
                       pltpu.SemaphoreType.DMA,
                       pltpu.SemaphoreType.DMA],
    )
    def gather_kernel(t_hbm, src_hbm, dst_hbm, erow_hbm,
                      isrc_v, idst_v, grow_v, prow_v, sem1, sem2):
        cid = lax.axis_index("c")
        sid = lax.axis_index("s")
        wid = sid * NC + cid

        @pl.loop(0, epw // CG)
        def _(j):
            base = wid * epw + j * CG
            pltpu.sync_copy(src_hbm.at[pl.ds(base, CG)], isrc_v)
            pltpu.sync_copy(dst_hbm.at[pl.ds(base, CG)], idst_v)
            c1 = pltpu.async_copy(t_hbm.at[isrc_v], grow_v, sem1)
            c2 = pltpu.async_copy(t_hbm.at[idst_v], prow_v, sem2)
            c1.wait()
            c2.wait()

            @pl.loop(0, CG)
            def _(i):
                grow_v[i, pl.ds(ATOM_EMB, 16)] = (
                    grow_v[i, pl.ds(ATOM_EMB, 16)]
                    - prow_v[i, pl.ds(ATOM_EMB, 16)])

            pltpu.sync_copy(grow_v, erow_hbm.at[pl.ds(base, CG)])

    @functools.partial(
        pl.kernel,
        out_type=jax.ShapeDtypeStruct((NC, N, 128), jnp.float32),
        mesh=mesh,
        scratch_types=[pltpu.VMEM((CS,), jnp.int32),
                       pltpu.VMEM((CS, 128), jnp.float32),
                       pltpu.VMEM((ZR, 128), jnp.float32),
                       pltpu.VMEM_SHARED((N, 128), jnp.float32),
                       pltpu.SemaphoreType.DMA],
    )
    def scatter_kernel(eoa_hbm, eob_hbm, dst_hbm, out_hbm, idx_v, rows_v,
                       zbuf_v, acc_sh, sem):
        cid = lax.axis_index("c")
        sid = lax.axis_index("s")

        zeros16 = jnp.zeros((16,), jnp.float32)

        @pl.loop(0, ZR)
        def _(i):
            @pl.loop(0, 128 // 16)
            def _(j):
                zbuf_v[i, pl.ds(j * 16, 16)] = zeros16

        @pl.when(sid < NS - 1)
        def _():
            @pl.loop(0, SGA // ZR)
            def _(t):
                off = pl.multiple_of(sid * SGA + t * ZR, 8)
                pltpu.sync_copy(zbuf_v, acc_sh.at[pl.ds(off, ZR)])

        @pl.when(sid == NS - 1)
        def _():
            @pl.loop(0, SGB // ZR)
            def _(t):
                pltpu.sync_copy(
                    zbuf_v, acc_sh.at[pl.ds((NS - 1) * SGA + t * ZR, ZR)])

        plsc.subcore_barrier()

        @pl.loop(0, eps // CS)
        def _(j):
            base = sid * eps + j * CS
            pltpu.sync_copy(dst_hbm.at[pl.ds(base, CS)], idx_v)

            @pl.when(cid == 0)
            def _():
                pltpu.sync_copy(eoa_hbm.at[pl.ds(base, CS)], rows_v)

            @pl.when(cid == 1)
            def _():
                pltpu.sync_copy(eob_hbm.at[pl.ds(base, CS)], rows_v)

            pltpu.async_copy(rows_v, acc_sh.at[idx_v], sem, add=True).wait()

        plsc.subcore_barrier()

        @pl.when(sid < NS - 1)
        def _():
            off = pl.multiple_of(sid * SGA, 8)
            pltpu.sync_copy(acc_sh.at[pl.ds(off, SGA)],
                            out_hbm.at[cid, pl.ds(off, SGA)])

        @pl.when(sid == NS - 1)
        def _():
            pltpu.sync_copy(acc_sh.at[pl.ds((NS - 1) * SGA, SGB)],
                            out_hbm.at[cid, pl.ds((NS - 1) * SGA, SGB)])

    return gather_kernel, scatter_kernel


def _dense_body(erow_ref, w1_ref, w2e_ref, rh_ref, rx_ref, q_ref,
                outa_ref, outb_ref, p_scr):
    g = erow_ref[...]
    xs = g[:, 0:ATOM_EMB]
    vec = g[:, ATOM_EMB:ATOM_EMB + 3]
    r2 = jnp.sum(vec * vec, axis=1, keepdims=True)
    r = jnp.sqrt(r2)
    mask = r > 0.0
    r_safe = jnp.where(mask, r, 1.0)
    inv = 1.0 / r_safe
    unit = vec * inv
    ux, uy, uz = unit[:, 0:1], unit[:, 1:2], unit[:, 2:3]

    c15 = math.sqrt(15.0)
    c5 = math.sqrt(5.0)
    c3 = math.sqrt(3.0)
    sh9 = jnp.concatenate([
        jnp.ones((BE, 1), jnp.float32),
        c3 * ux, c3 * uy, c3 * uz,
        c15 * ux * uz,
        c15 * ux * uy,
        c5 * (uy * uy - 0.5 * (ux * ux + uz * uz)),
        c15 * uy * uz,
        (c15 / 2.0) * (uz * uz - ux * ux),
    ], axis=1)
    sh_exp = jnp.dot(sh9.astype(jnp.bfloat16), q_ref[...],
                     preferred_element_type=jnp.float32)

    nvec = jnp.arange(1, NUM_BASIS + 1, dtype=jnp.int32)[None, :].astype(
        jnp.float32)
    rc = jnp.minimum(r, MAX_RADIUS)
    tn = (0.5 / MAX_RADIUS) * rc * nvec
    u = tn - jnp.floor(tn + 0.5)
    w = (2.0 * math.pi) * u
    w2 = w * w
    poly = -1.0 / 39916800.0 + w2 * (1.0 / 6227020800.0
                                     - w2 * (1.0 / 1307674368000.0))
    s = w * (1.0 + w2 * (-1.0 / 6.0 + w2 * (1.0 / 120.0 + w2 * (
        -1.0 / 5040.0 + w2 * (1.0 / 362880.0 + w2 * poly)))))
    keep = mask & (r < MAX_RADIUS)
    basis = jnp.where(keep, math.sqrt(2.0 / MAX_RADIUS) * s * inv, 0.0)

    hpre = jnp.dot(basis.astype(jnp.bfloat16), w1_ref[...],
                   preferred_element_type=jnp.float32)
    h = hpre * jax.nn.sigmoid(hpre)

    hrep = jnp.dot(h.astype(jnp.bfloat16), rh_ref[...],
                   preferred_element_type=jnp.float32)
    xrep = jnp.dot(xs.astype(jnp.bfloat16), rx_ref[...],
                   preferred_element_type=jnp.float32)
    p_scr[...] = hrep.astype(jnp.bfloat16) * xrep.astype(jnp.bfloat16)
    o = jnp.dot(p_scr[...], w2e_ref[...], preferred_element_type=jnp.float32)
    eo = o * sh_exp
    outa_ref[...] = eo[:, 0:128]
    outb_ref[...] = eo[:, 128:256]


@functools.cache
def _make_dense_call(ec):
    return pl.pallas_call(
        _dense_body,
        grid=(ec // BE,),
        in_specs=[pl.BlockSpec((BE, TDIM), lambda i: (i, 0)),
                  pl.BlockSpec((NUM_BASIS, HIDDEN), lambda i: (0, 0)),
                  pl.BlockSpec((KDIM, 256), lambda i: (0, 0)),
                  pl.BlockSpec((HIDDEN, KDIM), lambda i: (0, 0)),
                  pl.BlockSpec((ATOM_EMB, KDIM), lambda i: (0, 0)),
                  pl.BlockSpec((9, 256), lambda i: (0, 0))],
        out_specs=[pl.BlockSpec((BE, 128), lambda i: (i, 0)),
                   pl.BlockSpec((BE, 128), lambda i: (i, 0))],
        out_shape=[jax.ShapeDtypeStruct((ec, 128), jnp.float32),
                   jax.ShapeDtypeStruct((ec, 128), jnp.float32)],
        scratch_shapes=[pltpu.VMEM((BE, KDIM), jnp.bfloat16)],
        compiler_params=pltpu.CompilerParams(
            dimension_semantics=("parallel",)),
    )


def _combine_body(p1_ref, p2_ref, perm_ref, out_ref):
    pa = p1_ref[0] + p2_ref[0]
    pb = p1_ref[1] + p2_ref[1]
    acc = jnp.concatenate([pa, pb[:, 0:OUT_DIM - 128]], axis=1)
    out_ref[...] = jnp.dot(acc, perm_ref[...],
                           preferred_element_type=jnp.float32)


_combine_call = pl.pallas_call(
    _combine_body,
    out_shape=jax.ShapeDtypeStruct((N, OUT_DIM), jnp.float32),
)


def kernel(z, pos, edge_index, W_embed, b_embed, W1, W2):
    src = edge_index[0].astype(jnp.int32)
    dst = edge_index[1].astype(jnp.int32)

    w1b = (W1 / math.sqrt(NUM_BASIS)).astype(jnp.bfloat16)
    w2r = jnp.transpose(
        W2.reshape(HIDDEN, 3, ATOM_EMB, MUL_OUT), (0, 2, 1, 3)
    ).reshape(KDIM, 3 * MUL_OUT) / (math.sqrt(HIDDEN) * math.sqrt(ATOM_EMB))
    w2e = jnp.concatenate(
        [jnp.take(w2r, jnp.asarray(_COL_SRC), axis=1),
         jnp.zeros((KDIM, 256 - OUT_DIM), jnp.float32)],
        axis=1).astype(jnp.bfloat16)
    rh = jnp.asarray(_RH).astype(jnp.bfloat16)
    rx = jnp.asarray(_RX).astype(jnp.bfloat16)
    q256 = jnp.asarray(_Q256).astype(jnp.bfloat16)
    perm = jnp.asarray(_PERM)

    t_tab = _embed_call(z, pos, W_embed, b_embed.reshape(1, ATOM_EMB))

    parts = []
    for lo, ec in ((0, E1), (E1, E - E1)):
        gather_kernel, scatter_kernel = _make_sc_kernels(ec)
        s_c = lax.slice_in_dim(src, lo, lo + ec)
        d_c = lax.slice_in_dim(dst, lo, lo + ec)
        erow = gather_kernel(t_tab, s_c, d_c)
        eoa, eob = _make_dense_call(ec)(erow, w1b, w2e, rh, rx, q256)
        parts.append(scatter_kernel(eoa, eob, d_c))
    return _combine_call(parts[0], parts[1], perm)

# --- scband reference (transcript-rebuilt; emitter-appended) ---
"""Pipeline reference for scband-node-encoder-16836271800691 (READ-ONLY COPY).

The authoritative reference and input builder live on the scoring server;
editing this copy changes nothing except your own understanding.
"""

import jax, jax.numpy as jnp
import numpy as np
import math

N = 10000
E = 160000
NUM_ATOM_TYPES = 4
ATOM_EMB = 32
MUL_OUT = 16
NUM_BASIS = 32
HIDDEN = 32
MAX_RADIUS = 2.5
WEIGHT_NUMEL = 3 * ATOM_EMB * MUL_OUT  # one path per output irrep l in {0e,1o,2e}


def setup_inputs(seed: int = 0) -> dict:
    key = jax.random.key(seed)
    ks = jax.random.split(key, 6)
    z = jax.random.uniform(ks[0], (N, NUM_ATOM_TYPES), dtype=jnp.float32)
    pos = jax.random.normal(ks[1], (N, 3), dtype=jnp.float32)
    edge_index = jax.random.randint(ks[2], (2, E), 0, N)
    W_embed = jax.random.normal(ks[3], (NUM_ATOM_TYPES, ATOM_EMB), dtype=jnp.float32) / math.sqrt(NUM_ATOM_TYPES)
    b_embed = jnp.zeros((ATOM_EMB,), dtype=jnp.float32)
    W1 = jax.random.normal(ks[4], (NUM_BASIS, HIDDEN), dtype=jnp.float32)
    W2 = jax.random.normal(ks[5], (HIDDEN, WEIGHT_NUMEL), dtype=jnp.float32)
    return {"z": z, "pos": pos, "edge_index": edge_index,
            "W_embed": W_embed, "b_embed": b_embed, "W1": W1, "W2": W2}


def _spherical_harmonics_lmax2(unit):
    # e3nn component-normalized real spherical harmonics, lmax=2, normalize=True input
    x = unit[:, 0]; y = unit[:, 1]; zc = unit[:, 2]
    c15 = math.sqrt(15.0); c5 = math.sqrt(5.0); c3 = math.sqrt(3.0)
    sh0 = jnp.ones_like(x)
    sh1 = c3 * jnp.stack([x, y, zc], axis=1)
    sh2 = jnp.stack([
        c15 * x * zc,
        c15 * x * y,
        c5 * (y * y - 0.5 * (x * x + zc * zc)),
        c15 * y * zc,
        (c15 / 2.0) * (zc * zc - x * x),
    ], axis=1)
    return jnp.concatenate([sh0[:, None], sh1, sh2], axis=1)


def _bessel_basis(r, r_safe, mask):
    # e3nn math.soft_one_hot_linspace(basis='bessel', cutoff=True), start=0, end=MAX_RADIUS
    n = jnp.arange(1, NUM_BASIS + 1, dtype=jnp.float32)
    c = MAX_RADIUS
    arg = n[None, :] * math.pi * r_safe[:, None] / c
    b = math.sqrt(2.0 / c) * jnp.sin(arg) / r_safe[:, None]
    keep = mask & (r < c)
    return jnp.where(keep[:, None], b, 0.0)


def reference(z, pos, edge_index, W_embed, b_embed, W1, W2):
    # atom embedding (Linear)
    x = z @ W_embed + b_embed
    src = edge_index[0]
    dst = edge_index[1]
    vec = pos[src] - pos[dst]
    r = jnp.sqrt(jnp.sum(vec * vec, axis=1))
    mask = r > 0
    r_safe = jnp.where(mask, r, 1.0)
    unit = vec / r_safe[:, None]
    sh = _spherical_harmonics_lmax2(unit)           # [E, 9]
    basis = _bessel_basis(r, r_safe, mask)          # [E, NUM_BASIS]
    # e3nn FullyConnectedNet([num_basis, 32, weight_numel], silu): x @ W / sqrt(fan_in), act on hidden only
    h = jax.nn.silu(basis @ W1 / math.sqrt(NUM_BASIS))
    w = (h @ W2 / math.sqrt(HIDDEN)).reshape(-1, 3, ATOM_EMB, MUL_OUT)  # per-edge TP weights
    xs = x[src]                                      # gather [E, ATOM_EMB]
    # FullyConnectedTensorProduct 32x0e (x) (0e+1o+2e) -> 16x0e+16x1o+16x2e
    # path (0e x l -> l): out[v,m] = (1/sqrt(fan_in)) * sum_u w[u,v] * x[u] * sh_l[m]
    s = jnp.einsum('eluv,eu->elv', w, xs) / math.sqrt(ATOM_EMB)  # [E, 3, MUL_OUT]
    out0 = s[:, 0, :] * sh[:, 0:1]                                 # [E, 16]
    out1 = (s[:, 1, :, None] * sh[:, None, 1:4]).reshape(-1, MUL_OUT * 3)  # [E, 48]
    out2 = (s[:, 2, :, None] * sh[:, None, 4:9]).reshape(-1, MUL_OUT * 5)  # [E, 80]
    edge_out = jnp.concatenate([out0, out1, out2], axis=1)         # [E, 144]
    # scatter-add over destination nodes
    return jax.ops.segment_sum(edge_out, dst, num_segments=N)      # [N, 144]

if __name__ == "__main__":
    import jax
    _d = setup_inputs()
    print(jax.jit(kernel)(*tuple(_d.values())))

</pallas_src>

<mosaic_0001>
#map = affine_map<(d0, d1) -> (0, 0)>
#map1 = affine_map<(d0, d1) -> (0)>
#map2 = affine_map<(d0, d1) -> (0, 0, 0)>
module attributes {stable_mosaic.version = 14 : i64} {
  func.func @scatter_kernel(%arg0: i32, %arg1: i32, %arg2: memref<64000x128xf32, #tpu.memory_space<hbm>>, %arg3: memref<64000x128xf32, #tpu.memory_space<hbm>>, %arg4: memref<64000xi32, #tpu.memory_space<hbm>>, %arg5: memref<2x10000x128xf32, #tpu.memory_space<hbm>>, %arg6: memref<200xi32, #tpu.memory_space<vmem>>, %arg7: memref<200x128xf32, #tpu.memory_space<vmem>>, %arg8: memref<40x128xf32, #tpu.memory_space<vmem>>, %arg9: memref<10000x128xf32, #tpu.memory_space<vmem_shared>>, %arg10: memref<!tpu.dma_semaphore, #tpu.memory_space<semaphore_mem>>) attributes {dimension_semantics = [#tpu.dimension_semantics<core_parallel>, #tpu.dimension_semantics<subcore_parallel>], iteration_bounds = array<i64: 2, 16>, scalar_prefetch = 0 : i64, scratch_operands = 5 : i64, tpu.core_type = #tpu.core_type<sc_vector_subcore>, window_params = [{transform_indices = #map}, {transform_indices = #map}, {transform_indices = #map1}, {transform_indices = #map2}]} {
    %broadcast_in_dim3A = arith.constant 0.000000e+00 : f32
    %broadcast_in_dim3A_0 = vector.broadcast %broadcast_in_dim3A : f32 to vector<16xf32>
    %scan3A = arith.constant 0 : i32
    %scan3A_1 = arith.constant 40 : i32
    %scan3A_2 = arith.addi %scan3A, %scan3A_1 : i32
    %scan3A_3 = arith.constant 1 : i32
    scf.for %scan3A_27 = %scan3A to %scan3A_2 step %scan3A_3  : i32 {
      %mul3A = arith.constant 1 : i32
      %mul3A_28 = arith.muli %scan3A_27, %mul3A : i32
      %add3A = arith.constant 0 : i32
      %add3A_29 = arith.addi %add3A, %mul3A_28 : i32
      %scan3A_30 = arith.constant 0 : i32
      %scan3A_31 = arith.constant 8 : i32
      %scan3A_32 = arith.addi %scan3A_30, %scan3A_31 : i32
      %scan3A_33 = arith.constant 1 : i32
      scf.for %scan3A_35 = %scan3A_30 to %scan3A_32 step %scan3A_33  : i32 {
        %mul3A_36 = arith.constant 1 : i32
        %mul3A_37 = arith.muli %scan3A_35, %mul3A_36 : i32
        %add3A_38 = arith.constant 0 : i32
        %add3A_39 = arith.addi %add3A_38, %mul3A_37 : i32
        %mul3A_40 = arith.constant 16 : i32
        %mul3A_41 = arith.muli %add3A_39, %mul3A_40 : i32
        %swap3A = arith.index_cast %add3A_29 : i32 to index
        %swap3A_42 = arith.index_cast %mul3A_41 : i32 to index
        %swap3A_43 = tpu.vector_load %arg8[%swap3A, %swap3A_42] {strides = array<i32>} : memref<40x128xf32, #tpu.memory_space<vmem>>, vector<1x16xf32>,
        %swap3A_44 = vector.shape_cast %swap3A_43 : vector<1x16xf32> to vector<16xf32>
        %swap3A_45 = vector.shape_cast %broadcast_in_dim3A_0 : vector<16xf32> to vector<1x16xf32>
        tpu.vector_store %arg8[%swap3A, %swap3A_42], %swap3A_45 {strides = array<i32>} : memref<40x128xf32, #tpu.memory_space<vmem>>, vector<1x16xf32>,
      }
      %scan3A_34 = arith.constant 8 : i32
    }
    %scan3A_4 = arith.constant 40 : i32
    %lt3A = arith.constant 15 : i32
    %lt3A_5 = arith.cmpi slt, %arg1, %lt3A : i32
    %convert_element_type3A = arith.extui %lt3A_5 : i1 to i32
    %cond3A = arith.constant 0 : i32
    %cond3A_6 = arith.cmpi ne, %convert_element_type3A, %cond3A : i32
    scf.if %cond3A_6 {
      %scan3A_27 = arith.constant 0 : i32
      %scan3A_28 = arith.constant 16 : i32
      %scan3A_29 = arith.addi %scan3A_27, %scan3A_28 : i32
      %scan3A_30 = arith.constant 1 : i32
      scf.for %scan3A_32 = %scan3A_27 to %scan3A_29 step %scan3A_30  : i32 {
        %mul3A = arith.constant 1 : i32
        %mul3A_33 = arith.muli %scan3A_32, %mul3A : i32
        %add3A = arith.constant 0 : i32
        %add3A_34 = arith.addi %add3A, %mul3A_33 : i32
        %mul3A_35 = arith.constant 640 : i32
        %mul3A_36 = arith.muli %arg1, %mul3A_35 : i32
        %mul3A_37 = arith.constant 40 : i32
        %mul3A_38 = arith.muli %add3A_34, %mul3A_37 : i32
        %add3A_39 = arith.addi %mul3A_36, %mul3A_38 : i32
        %multiple_of3A = tpu.assume_multiple %add3A_39, 8 : i32
        "tpu.region"() ({
          %run_scoped3A = tpu.sem_alloc : memref<!tpu.dma_semaphore, #tpu.memory_space<semaphore_mem>>
          %dma_start3A = arith.constant 0 : i32
          %dma_start3A_40 = tpu.memref_slice %arg9[%multiple_of3A, %dma_start3A] : memref<10000x128xf32, #tpu.memory_space<vmem_shared>> -> memref<40x128xf32, #tpu.memory_space<vmem_shared>>
          %dma_start3A_41 = arith.constant 0 : i32
          %dma_start3A_42 = tpu.memref_slice %arg9[%multiple_of3A, %dma_start3A_41] : memref<10000x128xf32, #tpu.memory_space<vmem_shared>> -> memref<40x128xf32, #tpu.memory_space<vmem_shared>>
          tpu.enqueue_dma source(%arg8 : memref<40x128xf32, #tpu.memory_space<vmem>>) target(%dma_start3A_42 : memref<40x128xf32, #tpu.memory_space<vmem_shared>>) target_semaphore(%run_scoped3A : memref<!tpu.dma_semaphore, #tpu.memory_space<semaphore_mem>>)
          %dma_wait3A = arith.constant 0 : i32
          %dma_wait3A_43 = tpu.memref_slice %arg9[%multiple_of3A, %dma_wait3A] : memref<10000x128xf32, #tpu.memory_space<vmem_shared>> -> memref<40x128xf32, #tpu.memory_space<vmem_shared>>
          %dma_wait3A_44 = arith.constant 0 : i32
          %dma_wait3A_45 = tpu.memref_slice %arg9[%multiple_of3A, %dma_wait3A_44] : memref<10000x128xf32, #tpu.memory_space<vmem_shared>> -> memref<40x128xf32, #tpu.memory_space<vmem_shared>>
          tpu.wait_dma2 semaphore(%run_scoped3A : memref<!tpu.dma_semaphore, #tpu.memory_space<semaphore_mem>>) src(%arg8 : memref<40x128xf32, #tpu.memory_space<vmem>>) dst(%dma_wait3A_45 : memref<40x128xf32, #tpu.memory_space<vmem_shared>>)
          tpu.yield
        }) : () -> ()
      }
      %scan3A_31 = arith.constant 16 : i32
    } else {
    }
    %eq3A = arith.constant 15 : i32
    %eq3A_7 = arith.cmpi eq, %arg1, %eq3A : i32
    %convert_element_type3A_8 = arith.extui %eq3A_7 : i1 to i32
    %cond3A_9 = arith.constant 0 : i32
    %cond3A_10 = arith.cmpi ne, %convert_element_type3A_8, %cond3A_9 : i32
    scf.if %cond3A_10 {
      %scan3A_27 = arith.constant 0 : i32
      %scan3A_28 = arith.constant 10 : i32
      %scan3A_29 = arith.addi %scan3A_27, %scan3A_28 : i32
      %scan3A_30 = arith.constant 1 : i32
      scf.for %scan3A_32 = %scan3A_27 to %scan3A_29 step %scan3A_30  : i32 {
        %mul3A = arith.constant 1 : i32
        %mul3A_33 = arith.muli %scan3A_32, %mul3A : i32
        %add3A = arith.constant 0 : i32
        %add3A_34 = arith.addi %add3A, %mul3A_33 : i32
        %mul3A_35 = arith.constant 40 : i32
        %mul3A_36 = arith.muli %add3A_34, %mul3A_35 : i32
        %add3A_37 = arith.constant 9600 : i32
        %add3A_38 = arith.addi %add3A_37, %mul3A_36 : i32
        "tpu.region"() ({
          %run_scoped3A = tpu.sem_alloc : memref<!tpu.dma_semaphore, #tpu.memory_space<semaphore_mem>>
          %dma_start3A = arith.constant 0 : i32
          %dma_start3A_39 = tpu.memref_slice %arg9[%add3A_38, %dma_start3A] : memref<10000x128xf32, #tpu.memory_space<vmem_shared>> -> memref<40x128xf32, #tpu.memory_space<vmem_shared>>
          %dma_start3A_40 = arith.constant 0 : i32
          %dma_start3A_41 = tpu.memref_slice %arg9[%add3A_38, %dma_start3A_40] : memref<10000x128xf32, #tpu.memory_space<vmem_shared>> -> memref<40x128xf32, #tpu.memory_space<vmem_shared>>
          tpu.enqueue_dma source(%arg8 : memref<40x128xf32, #tpu.memory_space<vmem>>) target(%dma_start3A_41 : memref<40x128xf32, #tpu.memory_space<vmem_shared>>) target_semaphore(%run_scoped3A : memref<!tpu.dma_semaphore, #tpu.memory_space<semaphore_mem>>)
          %dma_wait3A = arith.constant 0 : i32
          %dma_wait3A_42 = tpu.memref_slice %arg9[%add3A_38, %dma_wait3A] : memref<10000x128xf32, #tpu.memory_space<vmem_shared>> -> memref<40x128xf32, #tpu.memory_space<vmem_shared>>
          %dma_wait3A_43 = arith.constant 0 : i32
          %dma_wait3A_44 = tpu.memref_slice %arg9[%add3A_38, %dma_wait3A_43] : memref<10000x128xf32, #tpu.memory_space<vmem_shared>> -> memref<40x128xf32, #tpu.memory_space<vmem_shared>>
          tpu.wait_dma2 semaphore(%run_scoped3A : memref<!tpu.dma_semaphore, #tpu.memory_space<semaphore_mem>>) src(%arg8 : memref<40x128xf32, #tpu.memory_space<vmem>>) dst(%dma_wait3A_44 : memref<40x128xf32, #tpu.memory_space<vmem_shared>>)
          tpu.yield
        }) : () -> ()
      }
      %scan3A_31 = arith.constant 10 : i32
    } else {
    }
    %barrier3A = arith.constant 0 : index
    tpu.barrier barrier_id(%barrier3A)
    %scan3A_11 = arith.constant 0 : i32
    %scan3A_12 = arith.constant 20 : i32
    %scan3A_13 = arith.addi %scan3A_11, %scan3A_12 : i32
    %scan3A_14 = arith.constant 1 : i32
    scf.for %scan3A_27 = %scan3A_11 to %scan3A_13 step %scan3A_14  : i32 {
      %mul3A = arith.constant 1 : i32
      %mul3A_28 = arith.muli %scan3A_27, %mul3A : i32
      %add3A = arith.constant 0 : i32
      %add3A_29 = arith.addi %add3A, %mul3A_28 : i32
      %mul3A_30 = arith.constant 4000 : i32
      %mul3A_31 = arith.muli %arg1, %mul3A_30 : i32
      %mul3A_32 = arith.constant 200 : i32
      %mul3A_33 = arith.muli %add3A_29, %mul3A_32 : i32
      %add3A_34 = arith.addi %mul3A_31, %mul3A_33 : i32
      "tpu.region"() ({
        %run_scoped3A = tpu.sem_alloc : memref<!tpu.dma_semaphore, #tpu.memory_space<semaphore_mem>>
        %dma_start3A_49 = tpu.memref_slice %arg4[%add3A_34] : memref<64000xi32, #tpu.memory_space<hbm>> -> memref<200xi32, #tpu.memory_space<hbm>>
        %dma_start3A_50 = tpu.memref_slice %arg4[%add3A_34] : memref<64000xi32, #tpu.memory_space<hbm>> -> memref<200xi32, #tpu.memory_space<hbm>>
        tpu.enqueue_dma source(%dma_start3A_50 : memref<200xi32, #tpu.memory_space<hbm>>) target(%arg6 : memref<200xi32, #tpu.memory_space<vmem>>) target_semaphore(%run_scoped3A : memref<!tpu.dma_semaphore, #tpu.memory_space<semaphore_mem>>)
        %dma_wait3A_51 = tpu.memref_slice %arg4[%add3A_34] : memref<64000xi32, #tpu.memory_space<hbm>> -> memref<200xi32, #tpu.memory_space<hbm>>
        %dma_wait3A_52 = tpu.memref_slice %arg4[%add3A_34] : memref<64000xi32, #tpu.memory_space<hbm>> -> memref<200xi32, #tpu.memory_space<hbm>>
        tpu.wait_dma2 semaphore(%run_scoped3A : memref<!tpu.dma_semaphore, #tpu.memory_space<semaphore_mem>>) src(%dma_wait3A_52 : memref<200xi32, #tpu.memory_space<hbm>>) dst(%arg6 : memref<200xi32, #tpu.memory_space<vmem>>)
        tpu.yield
      }) : () -> ()
      %eq3A_35 = arith.constant 0 : i32
      %eq3A_36 = arith.cmpi eq, %arg0, %eq3A_35 : i32
      %convert_element_type3A_37 = arith.extui %eq3A_36 : i1 to i32
      %cond3A_38 = arith.constant 0 : i32
      %cond3A_39 = arith.cmpi ne, %convert_element_type3A_37, %cond3A_38 : i32
      scf.if %cond3A_39 {
        "tpu.region"() ({
          %run_scoped3A = tpu.sem_alloc : memref<!tpu.dma_semaphore, #tpu.memory_space<semaphore_mem>>
          %dma_start3A_49 = arith.constant 0 : i32
          %dma_start3A_50 = tpu.memref_slice %arg2[%add3A_34, %dma_start3A_49] : memref<64000x128xf32, #tpu.memory_space<hbm>> -> memref<200x128xf32, #tpu.memory_space<hbm>>
          %dma_start3A_51 = arith.constant 0 : i32
          %dma_start3A_52 = tpu.memref_slice %arg2[%add3A_34, %dma_start3A_51] : memref<64000x128xf32, #tpu.memory_space<hbm>> -> memref<200x128xf32, #tpu.memory_space<hbm>>
          tpu.enqueue_dma source(%dma_start3A_52 : memref<200x128xf32, #tpu.memory_space<hbm>>) target(%arg7 : memref<200x128xf32, #tpu.memory_space<vmem>>) target_semaphore(%run_scoped3A : memref<!tpu.dma_semaphore, #tpu.memory_space<semaphore_mem>>)
          %dma_wait3A_53 = arith.constant 0 : i32
          %dma_wait3A_54 = tpu.memref_slice %arg2[%add3A_34, %dma_wait3A_53] : memref<64000x128xf32, #tpu.memory_space<hbm>> -> memref<200x128xf32, #tpu.memory_space<hbm>>
          %dma_wait3A_55 = arith.constant 0 : i32
          %dma_wait3A_56 = tpu.memref_slice %arg2[%add3A_34, %dma_wait3A_55] : memref<64000x128xf32, #tpu.memory_space<hbm>> -> memref<200x128xf32, #tpu.memory_space<hbm>>
          tpu.wait_dma2 semaphore(%run_scoped3A : memref<!tpu.dma_semaphore, #tpu.memory_space<semaphore_mem>>) src(%dma_wait3A_56 : memref<200x128xf32, #tpu.memory_space<hbm>>) dst(%arg7 : memref<200x128xf32, #tpu.memory_space<vmem>>)
          tpu.yield
        }) : () -> ()
      } else {
      }
      %eq3A_40 = arith.constant 1 : i32
      %eq3A_41 = arith.cmpi eq, %arg0, %eq3A_40 : i32
      %convert_element_type3A_42 = arith.extui %eq3A_41 : i1 to i32
      %cond3A_43 = arith.constant 0 : i32
      %cond3A_44 = arith.cmpi ne, %convert_element_type3A_42, %cond3A_43 : i32
      scf.if %cond3A_44 {
        "tpu.region"() ({
          %run_scoped3A = tpu.sem_alloc : memref<!tpu.dma_semaphore, #tpu.memory_space<semaphore_mem>>
          %dma_start3A_49 = arith.constant 0 : i32
          %dma_start3A_50 = tpu.memref_slice %arg3[%add3A_34, %dma_start3A_49] : memref<64000x128xf32, #tpu.memory_space<hbm>> -> memref<200x128xf32, #tpu.memory_space<hbm>>
          %dma_start3A_51 = arith.constant 0 : i32
          %dma_start3A_52 = tpu.memref_slice %arg3[%add3A_34, %dma_start3A_51] : memref<64000x128xf32, #tpu.memory_space<hbm>> -> memref<200x128xf32, #tpu.memory_space<hbm>>
          tpu.enqueue_dma source(%dma_start3A_52 : memref<200x128xf32, #tpu.memory_space<hbm>>) target(%arg7 : memref<200x128xf32, #tpu.memory_space<vmem>>) target_semaphore(%run_scoped3A : memref<!tpu.dma_semaphore, #tpu.memory_space<semaphore_mem>>)
          %dma_wait3A_53 = arith.constant 0 : i32
          %dma_wait3A_54 = tpu.memref_slice %arg3[%add3A_34, %dma_wait3A_53] : memref<64000x128xf32, #tpu.memory_space<hbm>> -> memref<200x128xf32, #tpu.memory_space<hbm>>
          %dma_wait3A_55 = arith.constant 0 : i32
          %dma_wait3A_56 = tpu.memref_slice %arg3[%add3A_34, %dma_wait3A_55] : memref<64000x128xf32, #tpu.memory_space<hbm>> -> memref<200x128xf32, #tpu.memory_space<hbm>>
          tpu.wait_dma2 semaphore(%run_scoped3A : memref<!tpu.dma_semaphore, #tpu.memory_space<semaphore_mem>>) src(%dma_wait3A_56 : memref<200x128xf32, #tpu.memory_space<hbm>>) dst(%arg7 : memref<200x128xf32, #tpu.memory_space<vmem>>)
          tpu.yield
        }) : () -> ()
      } else {
      }
      %dma_start3A = arith.constant 0 : i32
      %dma_start3A_45 = arith.constant 0 : i32
      %dma_start3A_46 = tpu.memref_slice %arg9[%dma_start3A, %dma_start3A_45] : memref<10000x128xf32, #tpu.memory_space<vmem_shared>> -> memref<10000x128xf32, #tpu.memory_space<vmem_shared>>
      tpu.enqueue_indirect_dma source(%arg7 : memref<200x128xf32, #tpu.memory_space<vmem>>) target(%dma_start3A_46 : memref<10000x128xf32, #tpu.memory_space<vmem_shared>>) offsets(%arg6 : memref<200xi32, #tpu.memory_space<vmem>>) semaphore(%arg10 : memref<!tpu.dma_semaphore, #tpu.memory_space<semaphore_mem>>) {add = true}
      %dma_wait3A = arith.constant 0 : i32
      %dma_wait3A_47 = arith.constant 0 : i32
      %dma_wait3A_48 = tpu.memref_slice %arg9[%dma_wait3A, %dma_wait3A_47] : memref<10000x128xf32, #tpu.memory_space<vmem_shared>> -> memref<10000x128xf32, #tpu.memory_space<vmem_shared>>
      tpu.wait_indirect_dma semaphore(%arg10 : memref<!tpu.dma_semaphore, #tpu.memory_space<semaphore_mem>>) src(%arg7 : memref<200x128xf32, #tpu.memory_space<vmem>>) dst(%dma_wait3A_48 : memref<10000x128xf32, #tpu.memory_space<vmem_shared>>)
    }
    %scan3A_15 = arith.constant 20 : i32
    %barrier3A_16 = arith.constant 0 : index
    tpu.barrier barrier_id(%barrier3A_16)
    %lt3A_17 = arith.constant 15 : i32
    %lt3A_18 = arith.cmpi slt, %arg1, %lt3A_17 : i32
    %convert_element_type3A_19 = arith.extui %lt3A_18 : i1 to i32
    %cond3A_20 = arith.constant 0 : i32
    %cond3A_21 = arith.cmpi ne, %convert_element_type3A_19, %cond3A_20 : i32
    scf.if %cond3A_21 {
      %mul3A = arith.constant 640 : i32
      %mul3A_27 = arith.muli %arg1, %mul3A : i32
      %multiple_of3A = tpu.assume_multiple %mul3A_27, 8 : i32
      "tpu.region"() ({
        %run_scoped3A = tpu.sem_alloc : memref<!tpu.dma_semaphore, #tpu.memory_space<semaphore_mem>>
        %dma_start3A = arith.constant 0 : i32
        %dma_start3A_28 = tpu.memref_slice %arg5[%arg0, %multiple_of3A, %dma_start3A] : memref<2x10000x128xf32, #tpu.memory_space<hbm>> -> memref<1x640x128xf32, #tpu.memory_space<hbm>>
        %dma_start3A_29 = tpu.memref_squeeze %dma_start3A_28 : memref<1x640x128xf32, #tpu.memory_space<hbm>> -> memref<640x128xf32, #tpu.memory_space<hbm>>
        %dma_start3A_30 = arith.constant 0 : i32
        %dma_start3A_31 = tpu.memref_slice %arg9[%multiple_of3A, %dma_start3A_30] : memref<10000x128xf32, #tpu.memory_space<vmem_shared>> -> memref<640x128xf32, #tpu.memory_space<vmem_shared>>
        tpu.enqueue_dma source(%dma_start3A_31 : memref<640x128xf32, #tpu.memory_space<vmem_shared>>) target(%dma_start3A_29 : memref<640x128xf32, #tpu.memory_space<hbm>>) target_semaphore(%run_scoped3A : memref<!tpu.dma_semaphore, #tpu.memory_space<semaphore_mem>>)
        %dma_wait3A = arith.constant 0 : i32
        %dma_wait3A_32 = tpu.memref_slice %arg5[%arg0, %multiple_of3A, %dma_wait3A] : memref<2x10000x128xf32, #tpu.memory_space<hbm>> -> memref<1x640x128xf32, #tpu.memory_space<hbm>>
        %dma_wait3A_33 = tpu.memref_squeeze %dma_wait3A_32 : memref<1x640x128xf32, #tpu.memory_space<hbm>> -> memref<640x128xf32, #tpu.memory_space<hbm>>
        %dma_wait3A_34 = arith.constant 0 : i32
        %dma_wait3A_35 = tpu.memref_slice %arg9[%multiple_of3A, %dma_wait3A_34] : memref<10000x128xf32, #tpu.memory_space<vmem_shared>> -> memref<640x128xf32, #tpu.memory_space<vmem_shared>>
        tpu.wait_dma2 semaphore(%run_scoped3A : memref<!tpu.dma_semaphore, #tpu.memory_space<semaphore_mem>>) src(%dma_wait3A_35 : memref<640x128xf32, #tpu.memory_space<vmem_shared>>) dst(%dma_wait3A_33 : memref<640x128xf32, #tpu.memory_space<hbm>>)
        tpu.yield
      }) : () -> ()
    } else {
    }
    %eq3A_22 = arith.constant 15 : i32
    %eq3A_23 = arith.cmpi eq, %arg1, %eq3A_22 : i32
    %convert_element_type3A_24 = arith.extui %eq3A_23 : i1 to i32
    %cond3A_25 = arith.constant 0 : i32
    %cond3A_26 = arith.cmpi ne, %convert_element_type3A_24, %cond3A_25 : i32
    scf.if %cond3A_26 {
      "tpu.region"() ({
        %run_scoped3A = tpu.sem_alloc : memref<!tpu.dma_semaphore, #tpu.memory_space<semaphore_mem>>
        %dma_start3A = arith.constant 9600 : i32
        %dma_start3A_27 = arith.constant 0 : i32
        %dma_start3A_28 = tpu.memref_slice %arg5[%arg0, %dma_start3A, %dma_start3A_27] : memref<2x10000x128xf32, #tpu.memory_space<hbm>> -> memref<1x400x128xf32, #tpu.memory_space<hbm>>
        %dma_start3A_29 = tpu.memref_squeeze %dma_start3A_28 : memref<1x400x128xf32, #tpu.memory_space<hbm>> -> memref<400x128xf32, #tpu.memory_space<hbm>>
        %dma_start3A_30 = arith.constant 9600 : i32
        %dma_start3A_31 = arith.constant 0 : i32
        %dma_start3A_32 = tpu.memref_slice %arg9[%dma_start3A_30, %dma_start3A_31] : memref<10000x128xf32, #tpu.memory_space<vmem_shared>> -> memref<400x128xf32, #tpu.memory_space<vmem_shared>>
        tpu.enqueue_dma source(%dma_start3A_32 : memref<400x128xf32, #tpu.memory_space<vmem_shared>>) target(%dma_start3A_29 : memref<400x128xf32, #tpu.memory_space<hbm>>) target_semaphore(%run_scoped3A : memref<!tpu.dma_semaphore, #tpu.memory_space<semaphore_mem>>)
        %dma_wait3A = arith.constant 9600 : i32
        %dma_wait3A_33 = arith.constant 0 : i32
        %dma_wait3A_34 = tpu.memref_slice %arg5[%arg0, %dma_wait3A, %dma_wait3A_33] : memref<2x10000x128xf32, #tpu.memory_space<hbm>> -> memref<1x400x128xf32, #tpu.memory_space<hbm>>
        %dma_wait3A_35 = tpu.memref_squeeze %dma_wait3A_34 : memref<1x400x128xf32, #tpu.memory_space<hbm>> -> memref<400x128xf32, #tpu.memory_space<hbm>>
        %dma_wait3A_36 = arith.constant 9600 : i32
        %dma_wait3A_37 = arith.constant 0 : i32
        %dma_wait3A_38 = tpu.memref_slice %arg9[%dma_wait3A_36, %dma_wait3A_37] : memref<10000x128xf32, #tpu.memory_space<vmem_shared>> -> memref<400x128xf32, #tpu.memory_space<vmem_shared>>
        tpu.wait_dma2 semaphore(%run_scoped3A : memref<!tpu.dma_semaphore, #tpu.memory_space<semaphore_mem>>) src(%dma_wait3A_38 : memref<400x128xf32, #tpu.memory_space<vmem_shared>>) dst(%dma_wait3A_35 : memref<400x128xf32, #tpu.memory_space<hbm>>)
        tpu.yield
      }) : () -> ()
    } else {
    }
    return
  }
}

#map = affine_map<(d0, d1) -> (0, 0)>
#map1 = affine_map<(d0, d1) -> (0)>
module attributes {stable_mosaic.version = 14 : i64} {
  func.func @gather_kernel(%arg0: i32, %arg1: i32, %arg2: memref<10000x128xf32, #tpu.memory_space<hbm>>, %arg3: memref<96000xi32, #tpu.memory_space<hbm>>, %arg4: memref<96000xi32, #tpu.memory_space<hbm>>, %arg5: memref<96000x128xf32, #tpu.memory_space<hbm>>, %arg6: memref<200xi32, #tpu.memory_space<vmem>>, %arg7: memref<200xi32, #tpu.memory_space<vmem>>, %arg8: memref<200x128xf32, #tpu.memory_space<vmem>>, %arg9: memref<200x128xf32, #tpu.memory_space<vmem>>, %arg10: memref<!tpu.dma_semaphore, #tpu.memory_space<semaphore_mem>>, %arg11: memref<!tpu.dma_semaphore, #tpu.memory_space<semaphore_mem>>) attributes {dimension_semantics = [#tpu.dimension_semantics<core_parallel>, #tpu.dimension_semantics<subcore_parallel>], iteration_bounds = array<i64: 2, 16>, scalar_prefetch = 0 : i64, scratch_operands = 6 : i64, tpu.core_type = #tpu.core_type<sc_vector_subcore>, window_params = [{transform_indices = #map}, {transform_indices = #map1}, {transform_indices = #map1}, {transform_indices = #map}]} {
    %mul3A = arith.constant 2 : i32
    %mul3A_0 = arith.muli %arg1, %mul3A : i32
    %add3A = arith.addi %mul3A_0, %arg0 : i32
    %scan3A = arith.constant 0 : i32
    %scan3A_1 = arith.constant 15 : i32
    %scan3A_2 = arith.addi %scan3A, %scan3A_1 : i32
    %scan3A_3 = arith.constant 1 : i32
    scf.for %scan3A_5 = %scan3A to %scan3A_2 step %scan3A_3  : i32 {
      %mul3A_6 = arith.constant 1 : i32
      %mul3A_7 = arith.muli %scan3A_5, %mul3A_6 : i32
      %add3A_8 = arith.constant 0 : i32
      %add3A_9 = arith.addi %add3A_8, %mul3A_7 : i32
      %mul3A_10 = arith.constant 3000 : i32
      %mul3A_11 = arith.muli %add3A, %mul3A_10 : i32
      %mul3A_12 = arith.constant 200 : i32
      %mul3A_13 = arith.muli %add3A_9, %mul3A_12 : i32
      %add3A_14 = arith.addi %mul3A_11, %mul3A_13 : i32
      "tpu.region"() ({
        %run_scoped3A = tpu.sem_alloc : memref<!tpu.dma_semaphore, #tpu.memory_space<semaphore_mem>>
        %dma_start3A_30 = tpu.memref_slice %arg3[%add3A_14] : memref<96000xi32, #tpu.memory_space<hbm>> -> memref<200xi32, #tpu.memory_space<hbm>>
        %dma_start3A_31 = tpu.memref_slice %arg3[%add3A_14] : memref<96000xi32, #tpu.memory_space<hbm>> -> memref<200xi32, #tpu.memory_space<hbm>>
        tpu.enqueue_dma source(%dma_start3A_31 : memref<200xi32, #tpu.memory_space<hbm>>) target(%arg6 : memref<200xi32, #tpu.memory_space<vmem>>) target_semaphore(%run_scoped3A : memref<!tpu.dma_semaphore, #tpu.memory_space<semaphore_mem>>)
        %dma_wait3A_32 = tpu.memref_slice %arg3[%add3A_14] : memref<96000xi32, #tpu.memory_space<hbm>> -> memref<200xi32, #tpu.memory_space<hbm>>
        %dma_wait3A_33 = tpu.memref_slice %arg3[%add3A_14] : memref<96000xi32, #tpu.memory_space<hbm>> -> memref<200xi32, #tpu.memory_space<hbm>>
        tpu.wait_dma2 semaphore(%run_scoped3A : memref<!tpu.dma_semaphore, #tpu.memory_space<semaphore_mem>>) src(%dma_wait3A_33 : memref<200xi32, #tpu.memory_space<hbm>>) dst(%arg6 : memref<200xi32, #tpu.memory_space<vmem>>)
        tpu.yield
      }) : () -> ()
      "tpu.region"() ({
        %run_scoped3A = tpu.sem_alloc : memref<!tpu.dma_semaphore, #tpu.memory_space<semaphore_mem>>
        %dma_start3A_30 = tpu.memref_slice %arg4[%add3A_14] : memref<96000xi32, #tpu.memory_space<hbm>> -> memref<200xi32, #tpu.memory_space<hbm>>
        %dma_start3A_31 = tpu.memref_slice %arg4[%add3A_14] : memref<96000xi32, #tpu.memory_space<hbm>> -> memref<200xi32, #tpu.memory_space<hbm>>
        tpu.enqueue_dma source(%dma_start3A_31 : memref<200xi32, #tpu.memory_space<hbm>>) target(%arg7 : memref<200xi32, #tpu.memory_space<vmem>>) target_semaphore(%run_scoped3A : memref<!tpu.dma_semaphore, #tpu.memory_space<semaphore_mem>>)
        %dma_wait3A_32 = tpu.memref_slice %arg4[%add3A_14] : memref<96000xi32, #tpu.memory_space<hbm>> -> memref<200xi32, #tpu.memory_space<hbm>>
        %dma_wait3A_33 = tpu.memref_slice %arg4[%add3A_14] : memref<96000xi32, #tpu.memory_space<hbm>> -> memref<200xi32, #tpu.memory_space<hbm>>
        tpu.wait_dma2 semaphore(%run_scoped3A : memref<!tpu.dma_semaphore, #tpu.memory_space<semaphore_mem>>) src(%dma_wait3A_33 : memref<200xi32, #tpu.memory_space<hbm>>) dst(%arg7 : memref<200xi32, #tpu.memory_space<vmem>>)
        tpu.yield
      }) : () -> ()
      %dma_start3A = arith.constant 0 : i32
      %dma_start3A_15 = arith.constant 0 : i32
      %dma_start3A_16 = tpu.memref_slice %arg2[%dma_start3A, %dma_start3A_15] : memref<10000x128xf32, #tpu.memory_space<hbm>> -> memref<10000x128xf32, #tpu.memory_space<hbm>>
      tpu.enqueue_indirect_dma source(%dma_start3A_16 : memref<10000x128xf32, #tpu.memory_space<hbm>>) target(%arg8 : memref<200x128xf32, #tpu.memory_space<vmem>>) offsets(%arg6 : memref<200xi32, #tpu.memory_space<vmem>>) semaphore(%arg10 : memref<!tpu.dma_semaphore, #tpu.memory_space<semaphore_mem>>)
      %dma_start3A_17 = arith.constant 0 : i32
      %dma_start3A_18 = arith.constant 0 : i32
      %dma_start3A_19 = tpu.memref_slice %arg2[%dma_start3A_17, %dma_start3A_18] : memref<10000x128xf32, #tpu.memory_space<hbm>> -> memref<10000x128xf32, #tpu.memory_space<hbm>>
      tpu.enqueue_indirect_dma source(%dma_start3A_19 : memref<10000x128xf32, #tpu.memory_space<hbm>>) target(%arg9 : memref<200x128xf32, #tpu.memory_space<vmem>>) offsets(%arg7 : memref<200xi32, #tpu.memory_space<vmem>>) semaphore(%arg11 : memref<!tpu.dma_semaphore, #tpu.memory_space<semaphore_mem>>)
      %dma_wait3A = arith.constant 0 : i32
      %dma_wait3A_20 = arith.constant 0 : i32
      %dma_wait3A_21 = tpu.memref_slice %arg2[%dma_wait3A, %dma_wait3A_20] : memref<10000x128xf32, #tpu.memory_space<hbm>> -> memref<10000x128xf32, #tpu.memory_space<hbm>>
      tpu.wait_indirect_dma semaphore(%arg10 : memref<!tpu.dma_semaphore, #tpu.memory_space<semaphore_mem>>) src(%dma_wait3A_21 : memref<10000x128xf32, #tpu.memory_space<hbm>>) dst(%arg8 : memref<200x128xf32, #tpu.memory_space<vmem>>)
      %dma_wait3A_22 = arith.constant 0 : i32
      %dma_wait3A_23 = arith.constant 0 : i32
      %dma_wait3A_24 = tpu.memref_slice %arg2[%dma_wait3A_22, %dma_wait3A_23] : memref<10000x128xf32, #tpu.memory_space<hbm>> -> memref<10000x128xf32, #tpu.memory_space<hbm>>
      tpu.wait_indirect_dma semaphore(%arg11 : memref<!tpu.dma_semaphore, #tpu.memory_space<semaphore_mem>>) src(%dma_wait3A_24 : memref<10000x128xf32, #tpu.memory_space<hbm>>) dst(%arg9 : memref<200x128xf32, #tpu.memory_space<vmem>>)
      %scan3A_25 = arith.constant 0 : i32
      %scan3A_26 = arith.constant 200 : i32
      %scan3A_27 = arith.addi %scan3A_25, %scan3A_26 : i32
      %scan3A_28 = arith.constant 1 : i32
      scf.for %scan3A_30 = %scan3A_25 to %scan3A_27 step %scan3A_28  : i32 {
        %mul3A_31 = arith.constant 1 : i32
        %mul3A_32 = arith.muli %scan3A_30, %mul3A_31 : i32
        %add3A_33 = arith.constant 0 : i32
        %add3A_34 = arith.addi %add3A_33, %mul3A_32 : i32
        %get3A = arith.index_cast %add3A_34 : i32 to index
        %get3A_35 = arith.constant 32 : index
        %get3A_36 = tpu.vector_load %arg8[%get3A, %get3A_35] {strides = array<i32>} : memref<200x128xf32, #tpu.memory_space<vmem>>, vector<1x16xf32>,
        %get3A_37 = vector.shape_cast %get3A_36 : vector<1x16xf32> to vector<16xf32>
        %get3A_38 = arith.index_cast %add3A_34 : i32 to index
        %get3A_39 = arith.constant 32 : index
        %get3A_40 = tpu.vector_load %arg9[%get3A_38, %get3A_39] {strides = array<i32>} : memref<200x128xf32, #tpu.memory_space<vmem>>, vector<1x16xf32>,
        %get3A_41 = vector.shape_cast %get3A_40 : vector<1x16xf32> to vector<16xf32>
        %sub3A = arith.subf %get3A_37, %get3A_41 : vector<16xf32>
        %swap3A = arith.index_cast %add3A_34 : i32 to index
        %swap3A_42 = arith.constant 32 : index
        %swap3A_43 = tpu.vector_load %arg8[%swap3A, %swap3A_42] {strides = array<i32>} : memref<200x128xf32, #tpu.memory_space<vmem>>, vector<1x16xf32>,
        %swap3A_44 = vector.shape_cast %swap3A_43 : vector<1x16xf32> to vector<16xf32>
        %swap3A_45 = vector.shape_cast %sub3A : vector<16xf32> to vector<1x16xf32>
        tpu.vector_store %arg8[%swap3A, %swap3A_42], %swap3A_45 {strides = array<i32>} : memref<200x128xf32, #tpu.memory_space<vmem>>, vector<1x16xf32>,
      }
      %scan3A_29 = arith.constant 200 : i32
      "tpu.region"() ({
        %run_scoped3A = tpu.sem_alloc : memref<!tpu.dma_semaphore, #tpu.memory_space<semaphore_mem>>
        %dma_start3A_30 = arith.constant 0 : i32
        %dma_start3A_31 = tpu.memref_slice %arg5[%add3A_14, %dma_start3A_30] : memref<96000x128xf32, #tpu.memory_space<hbm>> -> memref<200x128xf32, #tpu.memory_space<hbm>>
        %dma_start3A_32 = arith.constant 0 : i32
        %dma_start3A_33 = tpu.memref_slice %arg5[%add3A_14, %dma_start3A_32] : memref<96000x128xf32, #tpu.memory_space<hbm>> -> memref<200x128xf32, #tpu.memory_space<hbm>>
        tpu.enqueue_dma source(%arg8 : memref<200x128xf32, #tpu.memory_space<vmem>>) target(%dma_start3A_33 : memref<200x128xf32, #tpu.memory_space<hbm>>) target_semaphore(%run_scoped3A : memref<!tpu.dma_semaphore, #tpu.memory_space<semaphore_mem>>)
        %dma_wait3A_34 = arith.constant 0 : i32
        %dma_wait3A_35 = tpu.memref_slice %arg5[%add3A_14, %dma_wait3A_34] : memref<96000x128xf32, #tpu.memory_space<hbm>> -> memref<200x128xf32, #tpu.memory_space<hbm>>
        %dma_wait3A_36 = arith.constant 0 : i32
        %dma_wait3A_37 = tpu.memref_slice %arg5[%add3A_14, %dma_wait3A_36] : memref<96000x128xf32, #tpu.memory_space<hbm>> -> memref<200x128xf32, #tpu.memory_space<hbm>>
        tpu.wait_dma2 semaphore(%run_scoped3A : memref<!tpu.dma_semaphore, #tpu.memory_space<semaphore_mem>>) src(%arg8 : memref<200x128xf32, #tpu.memory_space<vmem>>) dst(%dma_wait3A_37 : memref<200x128xf32, #tpu.memory_space<hbm>>)
        tpu.yield
      }) : () -> ()
    }
    %scan3A_4 = arith.constant 15 : i32
    return
  }
}

#map = affine_map<(d0, d1) -> (0, 0)>
#map1 = affine_map<(d0, d1) -> (0)>
module attributes {stable_mosaic.version = 14 : i64} {
  func.func @gather_kernel(%arg0: i32, %arg1: i32, %arg2: memref<10000x128xf32, #tpu.memory_space<hbm>>, %arg3: memref<64000xi32, #tpu.memory_space<hbm>>, %arg4: memref<64000xi32, #tpu.memory_space<hbm>>, %arg5: memref<64000x128xf32, #tpu.memory_space<hbm>>, %arg6: memref<200xi32, #tpu.memory_space<vmem>>, %arg7: memref<200xi32, #tpu.memory_space<vmem>>, %arg8: memref<200x128xf32, #tpu.memory_space<vmem>>, %arg9: memref<200x128xf32, #tpu.memory_space<vmem>>, %arg10: memref<!tpu.dma_semaphore, #tpu.memory_space<semaphore_mem>>, %arg11: memref<!tpu.dma_semaphore, #tpu.memory_space<semaphore_mem>>) attributes {dimension_semantics = [#tpu.dimension_semantics<core_parallel>, #tpu.dimension_semantics<subcore_parallel>], iteration_bounds = array<i64: 2, 16>, scalar_prefetch = 0 : i64, scratch_operands = 6 : i64, tpu.core_type = #tpu.core_type<sc_vector_subcore>, window_params = [{transform_indices = #map}, {transform_indices = #map1}, {transform_indices = #map1}, {transform_indices = #map}]} {
    %mul3A = arith.constant 2 : i32
    %mul3A_0 = arith.muli %arg1, %mul3A : i32
    %add3A = arith.addi %mul3A_0, %arg0 : i32
    %scan3A = arith.constant 0 : i32
    %scan3A_1 = arith.constant 10 : i32
    %scan3A_2 = arith.addi %scan3A, %scan3A_1 : i32
    %scan3A_3 = arith.constant 1 : i32
    scf.for %scan3A_5 = %scan3A to %scan3A_2 step %scan3A_3  : i32 {
      %mul3A_6 = arith.constant 1 : i32
      %mul3A_7 = arith.muli %scan3A_5, %mul3A_6 : i32
      %add3A_8 = arith.constant 0 : i32
      %add3A_9 = arith.addi %add3A_8, %mul3A_7 : i32
      %mul3A_10 = arith.constant 2000 : i32
      %mul3A_11 = arith.muli %add3A, %mul3A_10 : i32
      %mul3A_12 = arith.constant 200 : i32
      %mul3A_13 = arith.muli %add3A_9, %mul3A_12 : i32
      %add3A_14 = arith.addi %mul3A_11, %mul3A_13 : i32
      "tpu.region"() ({
        %run_scoped3A = tpu.sem_alloc : memref<!tpu.dma_semaphore, #tpu.memory_space<semaphore_mem>>
        %dma_start3A_30 = tpu.memref_slice %arg3[%add3A_14] : memref<64000xi32, #tpu.memory_space<hbm>> -> memref<200xi32, #tpu.memory_space<hbm>>
        %dma_start3A_31 = tpu.memref_slice %arg3[%add3A_14] : memref<64000xi32, #tpu.memory_space<hbm>> -> memref<200xi32, #tpu.memory_space<hbm>>
        tpu.enqueue_dma source(%dma_start3A_31 : memref<200xi32, #tpu.memory_space<hbm>>) target(%arg6 : memref<200xi32, #tpu.memory_space<vmem>>) target_semaphore(%run_scoped3A : memref<!tpu.dma_semaphore, #tpu.memory_space<semaphore_mem>>)
        %dma_wait3A_32 = tpu.memref_slice %arg3[%add3A_14] : memref<64000xi32, #tpu.memory_space<hbm>> -> memref<200xi32, #tpu.memory_space<hbm>>
        %dma_wait3A_33 = tpu.memref_slice %arg3[%add3A_14] : memref<64000xi32, #tpu.memory_space<hbm>> -> memref<200xi32, #tpu.memory_space<hbm>>
        tpu.wait_dma2 semaphore(%run_scoped3A : memref<!tpu.dma_semaphore, #tpu.memory_space<semaphore_mem>>) src(%dma_wait3A_33 : memref<200xi32, #tpu.memory_space<hbm>>) dst(%arg6 : memref<200xi32, #tpu.memory_space<vmem>>)
        tpu.yield
      }) : () -> ()
      "tpu.region"() ({
        %run_scoped3A = tpu.sem_alloc : memref<!tpu.dma_semaphore, #tpu.memory_space<semaphore_mem>>
        %dma_start3A_30 = tpu.memref_slice %arg4[%add3A_14] : memref<64000xi32, #tpu.memory_space<hbm>> -> memref<200xi32, #tpu.memory_space<hbm>>
        %dma_start3A_31 = tpu.memref_slice %arg4[%add3A_14] : memref<64000xi32, #tpu.memory_space<hbm>> -> memref<200xi32, #tpu.memory_space<hbm>>
        tpu.enqueue_dma source(%dma_start3A_31 : memref<200xi32, #tpu.memory_space<hbm>>) target(%arg7 : memref<200xi32, #tpu.memory_space<vmem>>) target_semaphore(%run_scoped3A : memref<!tpu.dma_semaphore, #tpu.memory_space<semaphore_mem>>)
        %dma_wait3A_32 = tpu.memref_slice %arg4[%add3A_14] : memref<64000xi32, #tpu.memory_space<hbm>> -> memref<200xi32, #tpu.memory_space<hbm>>
        %dma_wait3A_33 = tpu.memref_slice %arg4[%add3A_14] : memref<64000xi32, #tpu.memory_space<hbm>> -> memref<200xi32, #tpu.memory_space<hbm>>
        tpu.wait_dma2 semaphore(%run_scoped3A : memref<!tpu.dma_semaphore, #tpu.memory_space<semaphore_mem>>) src(%dma_wait3A_33 : memref<200xi32, #tpu.memory_space<hbm>>) dst(%arg7 : memref<200xi32, #tpu.memory_space<vmem>>)
        tpu.yield
      }) : () -> ()
      %dma_start3A = arith.constant 0 : i32
      %dma_start3A_15 = arith.constant 0 : i32
      %dma_start3A_16 = tpu.memref_slice %arg2[%dma_start3A, %dma_start3A_15] : memref<10000x128xf32, #tpu.memory_space<hbm>> -> memref<10000x128xf32, #tpu.memory_space<hbm>>
      tpu.enqueue_indirect_dma source(%dma_start3A_16 : memref<10000x128xf32, #tpu.memory_space<hbm>>) target(%arg8 : memref<200x128xf32, #tpu.memory_space<vmem>>) offsets(%arg6 : memref<200xi32, #tpu.memory_space<vmem>>) semaphore(%arg10 : memref<!tpu.dma_semaphore, #tpu.memory_space<semaphore_mem>>)
      %dma_start3A_17 = arith.constant 0 : i32
      %dma_start3A_18 = arith.constant 0 : i32
      %dma_start3A_19 = tpu.memref_slice %arg2[%dma_start3A_17, %dma_start3A_18] : memref<10000x128xf32, #tpu.memory_space<hbm>> -> memref<10000x128xf32, #tpu.memory_space<hbm>>
      tpu.enqueue_indirect_dma source(%dma_start3A_19 : memref<10000x128xf32, #tpu.memory_space<hbm>>) target(%arg9 : memref<200x128xf32, #tpu.memory_space<vmem>>) offsets(%arg7 : memref<200xi32, #tpu.memory_space<vmem>>) semaphore(%arg11 : memref<!tpu.dma_semaphore, #tpu.memory_space<semaphore_mem>>)
      %dma_wait3A = arith.constant 0 : i32
      %dma_wait3A_20 = arith.constant 0 : i32
      %dma_wait3A_21 = tpu.memref_slice %arg2[%dma_wait3A, %dma_wait3A_20] : memref<10000x128xf32, #tpu.memory_space<hbm>> -> memref<10000x128xf32, #tpu.memory_space<hbm>>
      tpu.wait_indirect_dma semaphore(%arg10 : memref<!tpu.dma_semaphore, #tpu.memory_space<semaphore_mem>>) src(%dma_wait3A_21 : memref<10000x128xf32, #tpu.memory_space<hbm>>) dst(%arg8 : memref<200x128xf32, #tpu.memory_space<vmem>>)
      %dma_wait3A_22 = arith.constant 0 : i32
      %dma_wait3A_23 = arith.constant 0 : i32
      %dma_wait3A_24 = tpu.memref_slice %arg2[%dma_wait3A_22, %dma_wait3A_23] : memref<10000x128xf32, #tpu.memory_space<hbm>> -> memref<10000x128xf32, #tpu.memory_space<hbm>>
      tpu.wait_indirect_dma semaphore(%arg11 : memref<!tpu.dma_semaphore, #tpu.memory_space<semaphore_mem>>) src(%dma_wait3A_24 : memref<10000x128xf32, #tpu.memory_space<hbm>>) dst(%arg9 : memref<200x128xf32, #tpu.memory_space<vmem>>)
      %scan3A_25 = arith.constant 0 : i32
      %scan3A_26 = arith.constant 200 : i32
      %scan3A_27 = arith.addi %scan3A_25, %scan3A_26 : i32
      %scan3A_28 = arith.constant 1 : i32
      scf.for %scan3A_30 = %scan3A_25 to %scan3A_27 step %scan3A_28  : i32 {
        %mul3A_31 = arith.constant 1 : i32
        %mul3A_32 = arith.muli %scan3A_30, %mul3A_31 : i32
        %add3A_33 = arith.constant 0 : i32
        %add3A_34 = arith.addi %add3A_33, %mul3A_32 : i32
        %get3A = arith.index_cast %add3A_34 : i32 to index
        %get3A_35 = arith.constant 32 : index
        %get3A_36 = tpu.vector_load %arg8[%get3A, %get3A_35] {strides = array<i32>} : memref<200x128xf32, #tpu.memory_space<vmem>>, vector<1x16xf32>,
        %get3A_37 = vector.shape_cast %get3A_36 : vector<1x16xf32> to vector<16xf32>
        %get3A_38 = arith.index_cast %add3A_34 : i32 to index
        %get3A_39 = arith.constant 32 : index
        %get3A_40 = tpu.vector_load %arg9[%get3A_38, %get3A_39] {strides = array<i32>} : memref<200x128xf32, #tpu.memory_space<vmem>>, vector<1x16xf32>,
        %get3A_41 = vector.shape_cast %get3A_40 : vector<1x16xf32> to vector<16xf32>
        %sub3A = arith.subf %get3A_37, %get3A_41 : vector<16xf32>
        %swap3A = arith.index_cast %add3A_34 : i32 to index
        %swap3A_42 = arith.constant 32 : index
        %swap3A_43 = tpu.vector_load %arg8[%swap3A, %swap3A_42] {strides = array<i32>} : memref<200x128xf32, #tpu.memory_space<vmem>>, vector<1x16xf32>,
        %swap3A_44 = vector.shape_cast %swap3A_43 : vector<1x16xf32> to vector<16xf32>
        %swap3A_45 = vector.shape_cast %sub3A : vector<16xf32> to vector<1x16xf32>
        tpu.vector_store %arg8[%swap3A, %swap3A_42], %swap3A_45 {strides = array<i32>} : memref<200x128xf32, #tpu.memory_space<vmem>>, vector<1x16xf32>,
      }
      %scan3A_29 = arith.constant 200 : i32
      "tpu.region"() ({
        %run_scoped3A = tpu.sem_alloc : memref<!tpu.dma_semaphore, #tpu.memory_space<semaphore_mem>>
        %dma_start3A_30 = arith.constant 0 : i32
        %dma_start3A_31 = tpu.memref_slice %arg5[%add3A_14, %dma_start3A_30] : memref<64000x128xf32, #tpu.memory_space<hbm>> -> memref<200x128xf32, #tpu.memory_space<hbm>>
        %dma_start3A_32 = arith.constant 0 : i32
        %dma_start3A_33 = tpu.memref_slice %arg5[%add3A_14, %dma_start3A_32] : memref<64000x128xf32, #tpu.memory_space<hbm>> -> memref<200x128xf32, #tpu.memory_space<hbm>>
        tpu.enqueue_dma source(%arg8 : memref<200x128xf32, #tpu.memory_space<vmem>>) target(%dma_start3A_33 : memref<200x128xf32, #tpu.memory_space<hbm>>) target_semaphore(%run_scoped3A : memref<!tpu.dma_semaphore, #tpu.memory_space<semaphore_mem>>)
        %dma_wait3A_34 = arith.constant 0 : i32
        %dma_wait3A_35 = tpu.memref_slice %arg5[%add3A_14, %dma_wait3A_34] : memref<64000x128xf32, #tpu.memory_space<hbm>> -> memref<200x128xf32, #tpu.memory_space<hbm>>
        %dma_wait3A_36 = arith.constant 0 : i32
        %dma_wait3A_37 = tpu.memref_slice %arg5[%add3A_14, %dma_wait3A_36] : memref<64000x128xf32, #tpu.memory_space<hbm>> -> memref<200x128xf32, #tpu.memory_space<hbm>>
        tpu.wait_dma2 semaphore(%run_scoped3A : memref<!tpu.dma_semaphore, #tpu.memory_space<semaphore_mem>>) src(%arg8 : memref<200x128xf32, #tpu.memory_space<vmem>>) dst(%dma_wait3A_37 : memref<200x128xf32, #tpu.memory_space<hbm>>)
        tpu.yield
      }) : () -> ()
    }
    %scan3A_4 = arith.constant 10 : i32
    return
  }
}

#map = affine_map<(d0, d1) -> (0, 0)>
#map1 = affine_map<(d0, d1) -> (0)>
#map2 = affine_map<(d0, d1) -> (0, 0, 0)>
module attributes {stable_mosaic.version = 14 : i64} {
  func.func @scatter_kernel(%arg0: i32, %arg1: i32, %arg2: memref<96000x128xf32, #tpu.memory_space<hbm>>, %arg3: memref<96000x128xf32, #tpu.memory_space<hbm>>, %arg4: memref<96000xi32, #tpu.memory_space<hbm>>, %arg5: memref<2x10000x128xf32, #tpu.memory_space<hbm>>, %arg6: memref<200xi32, #tpu.memory_space<vmem>>, %arg7: memref<200x128xf32, #tpu.memory_space<vmem>>, %arg8: memref<40x128xf32, #tpu.memory_space<vmem>>, %arg9: memref<10000x128xf32, #tpu.memory_space<vmem_shared>>, %arg10: memref<!tpu.dma_semaphore, #tpu.memory_space<semaphore_mem>>) attributes {dimension_semantics = [#tpu.dimension_semantics<core_parallel>, #tpu.dimension_semantics<subcore_parallel>], iteration_bounds = array<i64: 2, 16>, scalar_prefetch = 0 : i64, scratch_operands = 5 : i64, tpu.core_type = #tpu.core_type<sc_vector_subcore>, window_params = [{transform_indices = #map}, {transform_indices = #map}, {transform_indices = #map1}, {transform_indices = #map2}]} {
    %broadcast_in_dim3A = arith.constant 0.000000e+00 : f32
    %broadcast_in_dim3A_0 = vector.broadcast %broadcast_in_dim3A : f32 to vector<16xf32>
    %scan3A = arith.constant 0 : i32
    %scan3A_1 = arith.constant 40 : i32
    %scan3A_2 = arith.addi %scan3A, %scan3A_1 : i32
    %scan3A_3 = arith.constant 1 : i32
    scf.for %scan3A_27 = %scan3A to %scan3A_2 step %scan3A_3  : i32 {
      %mul3A = arith.constant 1 : i32
      %mul3A_28 = arith.muli %scan3A_27, %mul3A : i32
      %add3A = arith.constant 0 : i32
      %add3A_29 = arith.addi %add3A, %mul3A_28 : i32
      %scan3A_30 = arith.constant 0 : i32
      %scan3A_31 = arith.constant 8 : i32
      %scan3A_32 = arith.addi %scan3A_30, %scan3A_31 : i32
      %scan3A_33 = arith.constant 1 : i32
      scf.for %scan3A_35 = %scan3A_30 to %scan3A_32 step %scan3A_33  : i32 {
        %mul3A_36 = arith.constant 1 : i32
        %mul3A_37 = arith.muli %scan3A_35, %mul3A_36 : i32
        %add3A_38 = arith.constant 0 : i32
        %add3A_39 = arith.addi %add3A_38, %mul3A_37 : i32
        %mul3A_40 = arith.constant 16 : i32
        %mul3A_41 = arith.muli %add3A_39, %mul3A_40 : i32
        %swap3A = arith.index_cast %add3A_29 : i32 to index
        %swap3A_42 = arith.index_cast %mul3A_41 : i32 to index
        %swap3A_43 = tpu.vector_load %arg8[%swap3A, %swap3A_42] {strides = array<i32>} : memref<40x128xf32, #tpu.memory_space<vmem>>, vector<1x16xf32>,
        %swap3A_44 = vector.shape_cast %swap3A_43 : vector<1x16xf32> to vector<16xf32>
        %swap3A_45 = vector.shape_cast %broadcast_in_dim3A_0 : vector<16xf32> to vector<1x16xf32>
        tpu.vector_store %arg8[%swap3A, %swap3A_42], %swap3A_45 {strides = array<i32>} : memref<40x128xf32, #tpu.memory_space<vmem>>, vector<1x16xf32>,
      }
      %scan3A_34 = arith.constant 8 : i32
    }
    %scan3A_4 = arith.constant 40 : i32
    %lt3A = arith.constant 15 : i32
    %lt3A_5 = arith.cmpi slt, %arg1, %lt3A : i32
    %convert_element_type3A = arith.extui %lt3A_5 : i1 to i32
    %cond3A = arith.constant 0 : i32
    %cond3A_6 = arith.cmpi ne, %convert_element_type3A, %cond3A : i32
    scf.if %cond3A_6 {
      %scan3A_27 = arith.constant 0 : i32
      %scan3A_28 = arith.constant 16 : i32
      %scan3A_29 = arith.addi %scan3A_27, %scan3A_28 : i32
      %scan3A_30 = arith.constant 1 : i32
      scf.for %scan3A_32 = %scan3A_27 to %scan3A_29 step %scan3A_30  : i32 {
        %mul3A = arith.constant 1 : i32
        %mul3A_33 = arith.muli %scan3A_32, %mul3A : i32
        %add3A = arith.constant 0 : i32
        %add3A_34 = arith.addi %add3A, %mul3A_33 : i32
        %mul3A_35 = arith.constant 640 : i32
        %mul3A_36 = arith.muli %arg1, %mul3A_35 : i32
        %mul3A_37 = arith.constant 40 : i32
        %mul3A_38 = arith.muli %add3A_34, %mul3A_37 : i32
        %add3A_39 = arith.addi %mul3A_36, %mul3A_38 : i32
        %multiple_of3A = tpu.assume_multiple %add3A_39, 8 : i32
        "tpu.region"() ({
          %run_scoped3A = tpu.sem_alloc : memref<!tpu.dma_semaphore, #tpu.memory_space<semaphore_mem>>
          %dma_start3A = arith.constant 0 : i32
          %dma_start3A_40 = tpu.memref_slice %arg9[%multiple_of3A, %dma_start3A] : memref<10000x128xf32, #tpu.memory_space<vmem_shared>> -> memref<40x128xf32, #tpu.memory_space<vmem_shared>>
          %dma_start3A_41 = arith.constant 0 : i32
          %dma_start3A_42 = tpu.memref_slice %arg9[%multiple_of3A, %dma_start3A_41] : memref<10000x128xf32, #tpu.memory_space<vmem_shared>> -> memref<40x128xf32, #tpu.memory_space<vmem_shared>>
          tpu.enqueue_dma source(%arg8 : memref<40x128xf32, #tpu.memory_space<vmem>>) target(%dma_start3A_42 : memref<40x128xf32, #tpu.memory_space<vmem_shared>>) target_semaphore(%run_scoped3A : memref<!tpu.dma_semaphore, #tpu.memory_space<semaphore_mem>>)
          %dma_wait3A = arith.constant 0 : i32
          %dma_wait3A_43 = tpu.memref_slice %arg9[%multiple_of3A, %dma_wait3A] : memref<10000x128xf32, #tpu.memory_space<vmem_shared>> -> memref<40x128xf32, #tpu.memory_space<vmem_shared>>
          %dma_wait3A_44 = arith.constant 0 : i32
          %dma_wait3A_45 = tpu.memref_slice %arg9[%multiple_of3A, %dma_wait3A_44] : memref<10000x128xf32, #tpu.memory_space<vmem_shared>> -> memref<40x128xf32, #tpu.memory_space<vmem_shared>>
          tpu.wait_dma2 semaphore(%run_scoped3A : memref<!tpu.dma_semaphore, #tpu.memory_space<semaphore_mem>>) src(%arg8 : memref<40x128xf32, #tpu.memory_space<vmem>>) dst(%dma_wait3A_45 : memref<40x128xf32, #tpu.memory_space<vmem_shared>>)
          tpu.yield
        }) : () -> ()
      }
      %scan3A_31 = arith.constant 16 : i32
    } else {
    }
    %eq3A = arith.constant 15 : i32
    %eq3A_7 = arith.cmpi eq, %arg1, %eq3A : i32
    %convert_element_type3A_8 = arith.extui %eq3A_7 : i1 to i32
    %cond3A_9 = arith.constant 0 : i32
    %cond3A_10 = arith.cmpi ne, %convert_element_type3A_8, %cond3A_9 : i32
    scf.if %cond3A_10 {
      %scan3A_27 = arith.constant 0 : i32
      %scan3A_28 = arith.constant 10 : i32
      %scan3A_29 = arith.addi %scan3A_27, %scan3A_28 : i32
      %scan3A_30 = arith.constant 1 : i32
      scf.for %scan3A_32 = %scan3A_27 to %scan3A_29 step %scan3A_30  : i32 {
        %mul3A = arith.constant 1 : i32
        %mul3A_33 = arith.muli %scan3A_32, %mul3A : i32
        %add3A = arith.constant 0 : i32
        %add3A_34 = arith.addi %add3A, %mul3A_33 : i32
        %mul3A_35 = arith.constant 40 : i32
        %mul3A_36 = arith.muli %add3A_34, %mul3A_35 : i32
        %add3A_37 = arith.constant 9600 : i32
        %add3A_38 = arith.addi %add3A_37, %mul3A_36 : i32
        "tpu.region"() ({
          %run_scoped3A = tpu.sem_alloc : memref<!tpu.dma_semaphore, #tpu.memory_space<semaphore_mem>>
          %dma_start3A = arith.constant 0 : i32
          %dma_start3A_39 = tpu.memref_slice %arg9[%add3A_38, %dma_start3A] : memref<10000x128xf32, #tpu.memory_space<vmem_shared>> -> memref<40x128xf32, #tpu.memory_space<vmem_shared>>
          %dma_start3A_40 = arith.constant 0 : i32
          %dma_start3A_41 = tpu.memref_slice %arg9[%add3A_38, %dma_start3A_40] : memref<10000x128xf32, #tpu.memory_space<vmem_shared>> -> memref<40x128xf32, #tpu.memory_space<vmem_shared>>
          tpu.enqueue_dma source(%arg8 : memref<40x128xf32, #tpu.memory_space<vmem>>) target(%dma_start3A_41 : memref<40x128xf32, #tpu.memory_space<vmem_shared>>) target_semaphore(%run_scoped3A : memref<!tpu.dma_semaphore, #tpu.memory_space<semaphore_mem>>)
          %dma_wait3A = arith.constant 0 : i32
          %dma_wait3A_42 = tpu.memref_slice %arg9[%add3A_38, %dma_wait3A] : memref<10000x128xf32, #tpu.memory_space<vmem_shared>> -> memref<40x128xf32, #tpu.memory_space<vmem_shared>>
          %dma_wait3A_43 = arith.constant 0 : i32
          %dma_wait3A_44 = tpu.memref_slice %arg9[%add3A_38, %dma_wait3A_43] : memref<10000x128xf32, #tpu.memory_space<vmem_shared>> -> memref<40x128xf32, #tpu.memory_space<vmem_shared>>
          tpu.wait_dma2 semaphore(%run_scoped3A : memref<!tpu.dma_semaphore, #tpu.memory_space<semaphore_mem>>) src(%arg8 : memref<40x128xf32, #tpu.memory_space<vmem>>) dst(%dma_wait3A_44 : memref<40x128xf32, #tpu.memory_space<vmem_shared>>)
          tpu.yield
        }) : () -> ()
      }
      %scan3A_31 = arith.constant 10 : i32
    } else {
    }
    %barrier3A = arith.constant 0 : index
    tpu.barrier barrier_id(%barrier3A)
    %scan3A_11 = arith.constant 0 : i32
    %scan3A_12 = arith.constant 30 : i32
    %scan3A_13 = arith.addi %scan3A_11, %scan3A_12 : i32
    %scan3A_14 = arith.constant 1 : i32
    scf.for %scan3A_27 = %scan3A_11 to %scan3A_13 step %scan3A_14  : i32 {
      %mul3A = arith.constant 1 : i32
      %mul3A_28 = arith.muli %scan3A_27, %mul3A : i32
      %add3A = arith.constant 0 : i32
      %add3A_29 = arith.addi %add3A, %mul3A_28 : i32
      %mul3A_30 = arith.constant 6000 : i32
      %mul3A_31 = arith.muli %arg1, %mul3A_30 : i32
      %mul3A_32 = arith.constant 200 : i32
      %mul3A_33 = arith.muli %add3A_29, %mul3A_32 : i32
      %add3A_34 = arith.addi %mul3A_31, %mul3A_33 : i32
      "tpu.region"() ({
        %run_scoped3A = tpu.sem_alloc : memref<!tpu.dma_semaphore, #tpu.memory_space<semaphore_mem>>
        %dma_start3A_49 = tpu.memref_slice %arg4[%add3A_34] : memref<96000xi32, #tpu.memory_space<hbm>> -> memref<200xi32, #tpu.memory_space<hbm>>
        %dma_start3A_50 = tpu.memref_slice %arg4[%add3A_34] : memref<96000xi32, #tpu.memory_space<hbm>> -> memref<200xi32, #tpu.memory_space<hbm>>
        tpu.enqueue_dma source(%dma_start3A_50 : memref<200xi32, #tpu.memory_space<hbm>>) target(%arg6 : memref<200xi32, #tpu.memory_space<vmem>>) target_semaphore(%run_scoped3A : memref<!tpu.dma_semaphore, #tpu.memory_space<semaphore_mem>>)
        %dma_wait3A_51 = tpu.memref_slice %arg4[%add3A_34] : memref<96000xi32, #tpu.memory_space<hbm>> -> memref<200xi32, #tpu.memory_space<hbm>>
        %dma_wait3A_52 = tpu.memref_slice %arg4[%add3A_34] : memref<96000xi32, #tpu.memory_space<hbm>> -> memref<200xi32, #tpu.memory_space<hbm>>
        tpu.wait_dma2 semaphore(%run_scoped3A : memref<!tpu.dma_semaphore, #tpu.memory_space<semaphore_mem>>) src(%dma_wait3A_52 : memref<200xi32, #tpu.memory_space<hbm>>) dst(%arg6 : memref<200xi32, #tpu.memory_space<vmem>>)
        tpu.yield
      }) : () -> ()
      %eq3A_35 = arith.constant 0 : i32
      %eq3A_36 = arith.cmpi eq, %arg0, %eq3A_35 : i32
      %convert_element_type3A_37 = arith.extui %eq3A_36 : i1 to i32
      %cond3A_38 = arith.constant 0 : i32
      %cond3A_39 = arith.cmpi ne, %convert_element_type3A_37, %cond3A_38 : i32
      scf.if %cond3A_39 {
        "tpu.region"() ({
          %run_scoped3A = tpu.sem_alloc : memref<!tpu.dma_semaphore, #tpu.memory_space<semaphore_mem>>
          %dma_start3A_49 = arith.constant 0 : i32
          %dma_start3A_50 = tpu.memref_slice %arg2[%add3A_34, %dma_start3A_49] : memref<96000x128xf32, #tpu.memory_space<hbm>> -> memref<200x128xf32, #tpu.memory_space<hbm>>
          %dma_start3A_51 = arith.constant 0 : i32
          %dma_start3A_52 = tpu.memref_slice %arg2[%add3A_34, %dma_start3A_51] : memref<96000x128xf32, #tpu.memory_space<hbm>> -> memref<200x128xf32, #tpu.memory_space<hbm>>
          tpu.enqueue_dma source(%dma_start3A_52 : memref<200x128xf32, #tpu.memory_space<hbm>>) target(%arg7 : memref<200x128xf32, #tpu.memory_space<vmem>>) target_semaphore(%run_scoped3A : memref<!tpu.dma_semaphore, #tpu.memory_space<semaphore_mem>>)
          %dma_wait3A_53 = arith.constant 0 : i32
          %dma_wait3A_54 = tpu.memref_slice %arg2[%add3A_34, %dma_wait3A_53] : memref<96000x128xf32, #tpu.memory_space<hbm>> -> memref<200x128xf32, #tpu.memory_space<hbm>>
          %dma_wait3A_55 = arith.constant 0 : i32
          %dma_wait3A_56 = tpu.memref_slice %arg2[%add3A_34, %dma_wait3A_55] : memref<96000x128xf32, #tpu.memory_space<hbm>> -> memref<200x128xf32, #tpu.memory_space<hbm>>
          tpu.wait_dma2 semaphore(%run_scoped3A : memref<!tpu.dma_semaphore, #tpu.memory_space<semaphore_mem>>) src(%dma_wait3A_56 : memref<200x128xf32, #tpu.memory_space<hbm>>) dst(%arg7 : memref<200x128xf32, #tpu.memory_space<vmem>>)
          tpu.yield
        }) : () -> ()
      } else {
      }
      %eq3A_40 = arith.constant 1 : i32
      %eq3A_41 = arith.cmpi eq, %arg0, %eq3A_40 : i32
      %convert_element_type3A_42 = arith.extui %eq3A_41 : i1 to i32
      %cond3A_43 = arith.constant 0 : i32
      %cond3A_44 = arith.cmpi ne, %convert_element_type3A_42, %cond3A_43 : i32
      scf.if %cond3A_44 {
        "tpu.region"() ({
          %run_scoped3A = tpu.sem_alloc : memref<!tpu.dma_semaphore, #tpu.memory_space<semaphore_mem>>
          %dma_start3A_49 = arith.constant 0 : i32
          %dma_start3A_50 = tpu.memref_slice %arg3[%add3A_34, %dma_start3A_49] : memref<96000x128xf32, #tpu.memory_space<hbm>> -> memref<200x128xf32, #tpu.memory_space<hbm>>
          %dma_start3A_51 = arith.constant 0 : i32
          %dma_start3A_52 = tpu.memref_slice %arg3[%add3A_34, %dma_start3A_51] : memref<96000x128xf32, #tpu.memory_space<hbm>> -> memref<200x128xf32, #tpu.memory_space<hbm>>
          tpu.enqueue_dma source(%dma_start3A_52 : memref<200x128xf32, #tpu.memory_space<hbm>>) target(%arg7 : memref<200x128xf32, #tpu.memory_space<vmem>>) target_semaphore(%run_scoped3A : memref<!tpu.dma_semaphore, #tpu.memory_space<semaphore_mem>>)
          %dma_wait3A_53 = arith.constant 0 : i32
          %dma_wait3A_54 = tpu.memref_slice %arg3[%add3A_34, %dma_wait3A_53] : memref<96000x128xf32, #tpu.memory_space<hbm>> -> memref<200x128xf32, #tpu.memory_space<hbm>>
          %dma_wait3A_55 = arith.constant 0 : i32
          %dma_wait3A_56 = tpu.memref_slice %arg3[%add3A_34, %dma_wait3A_55] : memref<96000x128xf32, #tpu.memory_space<hbm>> -> memref<200x128xf32, #tpu.memory_space<hbm>>
          tpu.wait_dma2 semaphore(%run_scoped3A : memref<!tpu.dma_semaphore, #tpu.memory_space<semaphore_mem>>) src(%dma_wait3A_56 : memref<200x128xf32, #tpu.memory_space<hbm>>) dst(%arg7 : memref<200x128xf32, #tpu.memory_space<vmem>>)
          tpu.yield
        }) : () -> ()
      } else {
      }
      %dma_start3A = arith.constant 0 : i32
      %dma_start3A_45 = arith.constant 0 : i32
      %dma_start3A_46 = tpu.memref_slice %arg9[%dma_start3A, %dma_start3A_45] : memref<10000x128xf32, #tpu.memory_space<vmem_shared>> -> memref<10000x128xf32, #tpu.memory_space<vmem_shared>>
      tpu.enqueue_indirect_dma source(%arg7 : memref<200x128xf32, #tpu.memory_space<vmem>>) target(%dma_start3A_46 : memref<10000x128xf32, #tpu.memory_space<vmem_shared>>) offsets(%arg6 : memref<200xi32, #tpu.memory_space<vmem>>) semaphore(%arg10 : memref<!tpu.dma_semaphore, #tpu.memory_space<semaphore_mem>>) {add = true}
      %dma_wait3A = arith.constant 0 : i32
      %dma_wait3A_47 = arith.constant 0 : i32
      %dma_wait3A_48 = tpu.memref_slice %arg9[%dma_wait3A, %dma_wait3A_47] : memref<10000x128xf32, #tpu.memory_space<vmem_shared>> -> memref<10000x128xf32, #tpu.memory_space<vmem_shared>>
      tpu.wait_indirect_dma semaphore(%arg10 : memref<!tpu.dma_semaphore, #tpu.memory_space<semaphore_mem>>) src(%arg7 : memref<200x128xf32, #tpu.memory_space<vmem>>) dst(%dma_wait3A_48 : memref<10000x128xf32, #tpu.memory_space<vmem_shared>>)
    }
    %scan3A_15 = arith.constant 30 : i32
    %barrier3A_16 = arith.constant 0 : index
    tpu.barrier barrier_id(%barrier3A_16)
    %lt3A_17 = arith.constant 15 : i32
    %lt3A_18 = arith.cmpi slt, %arg1, %lt3A_17 : i32
    %convert_element_type3A_19 = arith.extui %lt3A_18 : i1 to i32
    %cond3A_20 = arith.constant 0 : i32
    %cond3A_21 = arith.cmpi ne, %convert_element_type3A_19, %cond3A_20 : i32
    scf.if %cond3A_21 {
      %mul3A = arith.constant 640 : i32
      %mul3A_27 = arith.muli %arg1, %mul3A : i32
      %multiple_of3A = tpu.assume_multiple %mul3A_27, 8 : i32
      "tpu.region"() ({
        %run_scoped3A = tpu.sem_alloc : memref<!tpu.dma_semaphore, #tpu.memory_space<semaphore_mem>>
        %dma_start3A = arith.constant 0 : i32
        %dma_start3A_28 = tpu.memref_slice %arg5[%arg0, %multiple_of3A, %dma_start3A] : memref<2x10000x128xf32, #tpu.memory_space<hbm>> -> memref<1x640x128xf32, #tpu.memory_space<hbm>>
        %dma_start3A_29 = tpu.memref_squeeze %dma_start3A_28 : memref<1x640x128xf32, #tpu.memory_space<hbm>> -> memref<640x128xf32, #tpu.memory_space<hbm>>
        %dma_start3A_30 = arith.constant 0 : i32
        %dma_start3A_31 = tpu.memref_slice %arg9[%multiple_of3A, %dma_start3A_30] : memref<10000x128xf32, #tpu.memory_space<vmem_shared>> -> memref<640x128xf32, #tpu.memory_space<vmem_shared>>
        tpu.enqueue_dma source(%dma_start3A_31 : memref<640x128xf32, #tpu.memory_space<vmem_shared>>) target(%dma_start3A_29 : memref<640x128xf32, #tpu.memory_space<hbm>>) target_semaphore(%run_scoped3A : memref<!tpu.dma_semaphore, #tpu.memory_space<semaphore_mem>>)
        %dma_wait3A = arith.constant 0 : i32
        %dma_wait3A_32 = tpu.memref_slice %arg5[%arg0, %multiple_of3A, %dma_wait3A] : memref<2x10000x128xf32, #tpu.memory_space<hbm>> -> memref<1x640x128xf32, #tpu.memory_space<hbm>>
        %dma_wait3A_33 = tpu.memref_squeeze %dma_wait3A_32 : memref<1x640x128xf32, #tpu.memory_space<hbm>> -> memref<640x128xf32, #tpu.memory_space<hbm>>
        %dma_wait3A_34 = arith.constant 0 : i32
        %dma_wait3A_35 = tpu.memref_slice %arg9[%multiple_of3A, %dma_wait3A_34] : memref<10000x128xf32, #tpu.memory_space<vmem_shared>> -> memref<640x128xf32, #tpu.memory_space<vmem_shared>>
        tpu.wait_dma2 semaphore(%run_scoped3A : memref<!tpu.dma_semaphore, #tpu.memory_space<semaphore_mem>>) src(%dma_wait3A_35 : memref<640x128xf32, #tpu.memory_space<vmem_shared>>) dst(%dma_wait3A_33 : memref<640x128xf32, #tpu.memory_space<hbm>>)
        tpu.yield
      }) : () -> ()
    } else {
    }
    %eq3A_22 = arith.constant 15 : i32
    %eq3A_23 = arith.cmpi eq, %arg1, %eq3A_22 : i32
    %convert_element_type3A_24 = arith.extui %eq3A_23 : i1 to i32
    %cond3A_25 = arith.constant 0 : i32
    %cond3A_26 = arith.cmpi ne, %convert_element_type3A_24, %cond3A_25 : i32
    scf.if %cond3A_26 {
      "tpu.region"() ({
        %run_scoped3A = tpu.sem_alloc : memref<!tpu.dma_semaphore, #tpu.memory_space<semaphore_mem>>
        %dma_start3A = arith.constant 9600 : i32
        %dma_start3A_27 = arith.constant 0 : i32
        %dma_start3A_28 = tpu.memref_slice %arg5[%arg0, %dma_start3A, %dma_start3A_27] : memref<2x10000x128xf32, #tpu.memory_space<hbm>> -> memref<1x400x128xf32, #tpu.memory_space<hbm>>
        %dma_start3A_29 = tpu.memref_squeeze %dma_start3A_28 : memref<1x400x128xf32, #tpu.memory_space<hbm>> -> memref<400x128xf32, #tpu.memory_space<hbm>>
        %dma_start3A_30 = arith.constant 9600 : i32
        %dma_start3A_31 = arith.constant 0 : i32
        %dma_start3A_32 = tpu.memref_slice %arg9[%dma_start3A_30, %dma_start3A_31] : memref<10000x128xf32, #tpu.memory_space<vmem_shared>> -> memref<400x128xf32, #tpu.memory_space<vmem_shared>>
        tpu.enqueue_dma source(%dma_start3A_32 : memref<400x128xf32, #tpu.memory_space<vmem_shared>>) target(%dma_start3A_29 : memref<400x128xf32, #tpu.memory_space<hbm>>) target_semaphore(%run_scoped3A : memref<!tpu.dma_semaphore, #tpu.memory_space<semaphore_mem>>)
        %dma_wait3A = arith.constant 9600 : i32
        %dma_wait3A_33 = arith.constant 0 : i32
        %dma_wait3A_34 = tpu.memref_slice %arg5[%arg0, %dma_wait3A, %dma_wait3A_33] : memref<2x10000x128xf32, #tpu.memory_space<hbm>> -> memref<1x400x128xf32, #tpu.memory_space<hbm>>
        %dma_wait3A_35 = tpu.memref_squeeze %dma_wait3A_34 : memref<1x400x128xf32, #tpu.memory_space<hbm>> -> memref<400x128xf32, #tpu.memory_space<hbm>>
        %dma_wait3A_36 = arith.constant 9600 : i32
        %dma_wait3A_37 = arith.constant 0 : i32
        %dma_wait3A_38 = tpu.memref_slice %arg9[%dma_wait3A_36, %dma_wait3A_37] : memref<10000x128xf32, #tpu.memory_space<vmem_shared>> -> memref<400x128xf32, #tpu.memory_space<vmem_shared>>
        tpu.wait_dma2 semaphore(%run_scoped3A : memref<!tpu.dma_semaphore, #tpu.memory_space<semaphore_mem>>) src(%dma_wait3A_38 : memref<400x128xf32, #tpu.memory_space<vmem_shared>>) dst(%dma_wait3A_35 : memref<400x128xf32, #tpu.memory_space<hbm>>)
        tpu.yield
      }) : () -> ()
    } else {
    }
    return
  }
}

module attributes {stable_mosaic.version = 14 : i64} {
  func.func @_embed_body(%arg0: memref<10000x4xf32, #tpu.memory_space<vmem>>, %arg1: memref<10000x3xf32, #tpu.memory_space<vmem>>, %arg2: memref<4x32xf32, #tpu.memory_space<vmem>>, %arg3: memref<1x32xf32, #tpu.memory_space<vmem>>, %arg4: memref<10000x128xf32, #tpu.memory_space<vmem>>) attributes {dimension_semantics = [], scalar_prefetch = 0 : i64, scratch_operands = 0 : i64, tpu.core_type = #tpu.core_type<tc>} {
    %get3A = arith.constant 0 : index
    %get3A_0 = arith.constant 0 : index
    %get3A_1 = vector.load %arg0[%get3A, %get3A_0] : memref<10000x4xf32, #tpu.memory_space<vmem>>, vector<10000x4xf32>
    %get3A_2 = arith.constant 0 : index
    %get3A_3 = arith.constant 0 : index
    %get3A_4 = vector.load %arg2[%get3A_2, %get3A_3] : memref<4x32xf32, #tpu.memory_space<vmem>>, vector<4x32xf32>
    %dot_general3A = arith.constant dense<0.000000e+00> : vector<10000x32xf32>
    %dot_general3A_5 = tpu.matmul %get3A_1, %get3A_4, %dot_general3A {dimension_numbers = #tpu.dot_dimension_numbers<[1], [0], [0], [1], [0, 0, 1, 1], [], []>, transpose_lhs_hint = false} : vector<10000x4xf32>, vector<4x32xf32>, vector<10000x32xf32> -> vector<10000x32xf32>
    %get3A_6 = arith.constant 0 : index
    %get3A_7 = arith.constant 0 : index
    %get3A_8 = vector.load %arg3[%get3A_6, %get3A_7] : memref<1x32xf32, #tpu.memory_space<vmem>>, vector<1x32xf32>
    %add3A = vector.broadcast %get3A_8 : vector<1x32xf32> to vector<10000x32xf32>
    %add3A_9 = arith.addf %dot_general3A_5, %add3A : vector<10000x32xf32>
    %get3A_10 = arith.constant 0 : index
    %get3A_11 = arith.constant 0 : index
    %get3A_12 = vector.load %arg1[%get3A_10, %get3A_11] : memref<10000x3xf32, #tpu.memory_space<vmem>>, vector<10000x3xf32>
    %broadcast_in_dim3A = arith.constant 0.000000e+00 : f32
    %broadcast_in_dim3A_13 = vector.broadcast %broadcast_in_dim3A : f32 to vector<10000x93xf32>
    %concatenate3A = tpu.concatenate %add3A_9, %get3A_12, %broadcast_in_dim3A_13 in 1 : vector<10000x32xf32>, vector<10000x3xf32>, vector<10000x93xf32> -> vector<10000x128xf32>
    %swap3A = arith.constant 0 : index
    %swap3A_14 = arith.constant 0 : index
    %swap3A_15 = vector.load %arg4[%swap3A, %swap3A_14] : memref<10000x128xf32, #tpu.memory_space<vmem>>, vector<10000x128xf32>
    tpu.vector_store %arg4[%swap3A, %swap3A_14], %concatenate3A {strides = array<i32>} : memref<10000x128xf32, #tpu.memory_space<vmem>>, vector<10000x128xf32>,
    return
  }
}

module attributes {stable_mosaic.version = 14 : i64} {
  func.func @_dense_body(%arg0: i32, %arg1: memref<4000x128xf32, #tpu.memory_space<vmem>>, %arg2: memref<32x32xbf16, #tpu.memory_space<vmem>>, %arg3: memref<1024x256xbf16, #tpu.memory_space<vmem>>, %arg4: memref<32x1024xbf16, #tpu.memory_space<vmem>>, %arg5: memref<32x1024xbf16, #tpu.memory_space<vmem>>, %arg6: memref<9x256xbf16, #tpu.memory_space<vmem>>, %arg7: memref<4000x128xf32, #tpu.memory_space<vmem>>, %arg8: memref<4000x128xf32, #tpu.memory_space<vmem>>, %arg9: memref<4000x1024xbf16, #tpu.memory_space<vmem>>) attributes {dimension_semantics = [#tpu.dimension_semantics<parallel>], iteration_bounds = array<i64: 24>, scalar_prefetch = 0 : i64, scratch_operands = 1 : i64, tpu.core_type = #tpu.core_type<tc>, window_params = [{transform_indices = @transform_0, window_bounds = array<i64: 4000, 128>}, {pipeline_mode = #tpu.pipeline_mode<synchronous>, transform_indices = @transform_1, window_bounds = array<i64: 32, 32>}, {pipeline_mode = #tpu.pipeline_mode<synchronous>, transform_indices = @transform_2, window_bounds = array<i64: 1024, 256>}, {pipeline_mode = #tpu.pipeline_mode<synchronous>, transform_indices = @transform_3, window_bounds = array<i64: 32, 1024>}, {pipeline_mode = #tpu.pipeline_mode<synchronous>, transform_indices = @transform_4, window_bounds = array<i64: 32, 1024>}, {pipeline_mode = #tpu.pipeline_mode<synchronous>, transform_indices = @transform_5, window_bounds = array<i64: 9, 256>}, {transform_indices = @transform_6, window_bounds = array<i64: 4000, 128>}, {transform_indices = @transform_7, window_bounds = array<i64: 4000, 128>}]} {
    %get3A = arith.constant 0 : index
    %get3A_0 = arith.constant 0 : index
    %get3A_1 = vector.load %arg1[%get3A, %get3A_0] : memref<4000x128xf32, #tpu.memory_space<vmem>>, vector<4000x128xf32>
    %slice3A = vector.extract_strided_slice %get3A_1 {offsets = [0, 0], sizes = [4000, 32], strides = [1, 1]} : vector<4000x128xf32> to vector<4000x32xf32>
    %slice3A_2 = vector.extract_strided_slice %get3A_1 {offsets = [0, 32], sizes = [4000, 3], strides = [1, 1]} : vector<4000x128xf32> to vector<4000x3xf32>
    %mul3A = arith.mulf %slice3A_2, %slice3A_2 : vector<4000x3xf32>
    %reduce_sum3A = arith.constant dense<0.000000e+00> : vector<4000xf32>
    %reduce_sum3A_3 = vector.multi_reduction <add>, %mul3A, %reduce_sum3A [1] : vector<4000x3xf32> to vector<4000xf32>
    %broadcast_in_dim3A = vector.shape_cast %reduce_sum3A_3 : vector<4000xf32> to vector<4000x1xf32>
    %sqrt3A = math.sqrt %broadcast_in_dim3A : vector<4000x1xf32>
    %gt3A = arith.constant 0.000000e+00 : f32
    %gt3A_4 = vector.broadcast %gt3A : f32 to vector<4000x1xf32>
    %gt3A_5 = arith.cmpf ogt, %sqrt3A, %gt3A_4 : vector<4000x1xf32>
    %jit3A = arith.constant 1.000000e+00 : f32
    %broadcast_in_dim3A_6 = vector.broadcast %jit3A : f32 to vector<4000x1xf32>
    %select_n3A = arith.select %gt3A_5, %sqrt3A, %broadcast_in_dim3A_6 : vector<4000x1xi1>, vector<4000x1xf32>
    %div3A = arith.constant 1.000000e+00 : f32
    %div3A_7 = vector.broadcast %div3A : f32 to vector<4000x1xf32>
    %div3A_8 = arith.divf %div3A_7, %select_n3A : vector<4000x1xf32>
    %mul3A_9 = vector.broadcast %div3A_8 : vector<4000x1xf32> to vector<4000x3xf32>
    %mul3A_10 = arith.mulf %slice3A_2, %mul3A_9 : vector<4000x3xf32>
    %slice3A_11 = vector.extract_strided_slice %mul3A_10 {offsets = [0, 0], sizes = [4000, 1], strides = [1, 1]} : vector<4000x3xf32> to vector<4000x1xf32>
    %slice3A_12 = vector.extract_strided_slice %mul3A_10 {offsets = [0, 1], sizes = [4000, 1], strides = [1, 1]} : vector<4000x3xf32> to vector<4000x1xf32>
    %slice3A_13 = vector.extract_strided_slice %mul3A_10 {offsets = [0, 2], sizes = [4000, 1], strides = [1, 1]} : vector<4000x3xf32> to vector<4000x1xf32>
    %broadcast_in_dim3A_14 = arith.constant 1.000000e+00 : f32
    %broadcast_in_dim3A_15 = vector.broadcast %broadcast_in_dim3A_14 : f32 to vector<4000x1xf32>
    %mul3A_16 = arith.constant 1.73205078 : f32
    %mul3A_17 = vector.broadcast %mul3A_16 : f32 to vector<4000x1xf32>
    %mul3A_18 = arith.mulf %mul3A_17, %slice3A_11 : vector<4000x1xf32>
    %mul3A_19 = arith.constant 1.73205078 : f32
    %mul3A_20 = vector.broadcast %mul3A_19 : f32 to vector<4000x1xf32>
    %mul3A_21 = arith.mulf %mul3A_20, %slice3A_12 : vector<4000x1xf32>
    %mul3A_22 = arith.constant 1.73205078 : f32
    %mul3A_23 = vector.broadcast %mul3A_22 : f32 to vector<4000x1xf32>
    %mul3A_24 = arith.mulf %mul3A_23, %slice3A_13 : vector<4000x1xf32>
    %mul3A_25 = arith.constant 3.87298346 : f32
    %mul3A_26 = vector.broadcast %mul3A_25 : f32 to vector<4000x1xf32>
    %mul3A_27 = arith.mulf %mul3A_26, %slice3A_11 : vector<4000x1xf32>
    %mul3A_28 = arith.mulf %mul3A_27, %slice3A_13 : vector<4000x1xf32>
    %mul3A_29 = arith.constant 3.87298346 : f32
    %mul3A_30 = vector.broadcast %mul3A_29 : f32 to vector<4000x1xf32>
    %mul3A_31 = arith.mulf %mul3A_30, %slice3A_11 : vector<4000x1xf32>
    %mul3A_32 = arith.mulf %mul3A_31, %slice3A_12 : vector<4000x1xf32>
    %mul3A_33 = arith.mulf %slice3A_12, %slice3A_12 : vector<4000x1xf32>
    %mul3A_34 = arith.mulf %slice3A_11, %slice3A_11 : vector<4000x1xf32>
    %mul3A_35 = arith.mulf %slice3A_13, %slice3A_13 : vector<4000x1xf32>
    %add3A = arith.addf %mul3A_34, %mul3A_35 : vector<4000x1xf32>
    %mul3A_36 = arith.constant 5.000000e-01 : f32
    %mul3A_37 = vector.broadcast %mul3A_36 : f32 to vector<4000x1xf32>
    %mul3A_38 = arith.mulf %mul3A_37, %add3A : vector<4000x1xf32>
    %sub3A = arith.subf %mul3A_33, %mul3A_38 : vector<4000x1xf32>
    %mul3A_39 = arith.constant 2.23606801 : f32
    %mul3A_40 = vector.broadcast %mul3A_39 : f32 to vector<4000x1xf32>
    %mul3A_41 = arith.mulf %mul3A_40, %sub3A : vector<4000x1xf32>
    %mul3A_42 = arith.constant 3.87298346 : f32
    %mul3A_43 = vector.broadcast %mul3A_42 : f32 to vector<4000x1xf32>
    %mul3A_44 = arith.mulf %mul3A_43, %slice3A_12 : vector<4000x1xf32>
    %mul3A_45 = arith.mulf %mul3A_44, %slice3A_13 : vector<4000x1xf32>
    %mul3A_46 = arith.mulf %slice3A_13, %slice3A_13 : vector<4000x1xf32>
    %mul3A_47 = arith.mulf %slice3A_11, %slice3A_11 : vector<4000x1xf32>
    %sub3A_48 = arith.subf %mul3A_46, %mul3A_47 : vector<4000x1xf32>
    %mul3A_49 = arith.constant 1.93649173 : f32
    %mul3A_50 = vector.broadcast %mul3A_49 : f32 to vector<4000x1xf32>
    %mul3A_51 = arith.mulf %mul3A_50, %sub3A_48 : vector<4000x1xf32>
    %concatenate3A = tpu.concatenate %broadcast_in_dim3A_15, %mul3A_18, %mul3A_21, %mul3A_24, %mul3A_28, %mul3A_32, %mul3A_41, %mul3A_45, %mul3A_51 in 1 : vector<4000x1xf32>, vector<4000x1xf32>, vector<4000x1xf32>, vector<4000x1xf32>, vector<4000x1xf32>, vector<4000x1xf32>, vector<4000x1xf32>, vector<4000x1xf32>, vector<4000x1xf32> -> vector<4000x9xf32>
    %convert_element_type3A = arith.truncf %concatenate3A : vector<4000x9xf32> to vector<4000x9xbf16>
    %get3A_52 = arith.constant 0 : index
    %get3A_53 = arith.constant 0 : index
    %get3A_54 = vector.load %arg6[%get3A_52, %get3A_53] : memref<9x256xbf16, #tpu.memory_space<vmem>>, vector<9x256xbf16>
    %dot_general3A = arith.constant dense<0.000000e+00> : vector<4000x256xf32>
    %dot_general3A_55 = tpu.matmul %convert_element_type3A, %get3A_54, %dot_general3A {dimension_numbers = #tpu.dot_dimension_numbers<[1], [0], [0], [1], [0, 0, 1, 1], [], []>, transpose_lhs_hint = false} : vector<4000x9xbf16>, vector<9x256xbf16>, vector<4000x256xf32> -> vector<4000x256xf32>
    %iota3A = tpu.iota {dimensions = array<i32: 1>} : vector<1x32xi32>
    %iota3A_56 = vector.shape_cast %iota3A : vector<1x32xi32> to vector<32xi32>
    %add3A_57 = arith.constant 1 : i32
    %add3A_58 = vector.broadcast %add3A_57 : i32 to vector<32xi32>
    %add3A_59 = arith.addi %add3A_58, %iota3A_56 : vector<32xi32>
    %broadcast_in_dim3A_60 = vector.shape_cast %add3A_59 : vector<32xi32> to vector<1x32xi32>
    %convert_element_type3A_61 = arith.sitofp %broadcast_in_dim3A_60 : vector<1x32xi32> to vector<1x32xf32>
    %min3A = arith.constant 2.500000e+00 : f32
    %min3A_62 = vector.broadcast %min3A : f32 to vector<4000x1xf32>
    %min3A_63 = arith.minimumf %sqrt3A, %min3A_62 : vector<4000x1xf32>
    %mul3A_64 = arith.constant 2.000000e-01 : f32
    %mul3A_65 = vector.broadcast %mul3A_64 : f32 to vector<4000x1xf32>
    %mul3A_66 = arith.mulf %mul3A_65, %min3A_63 : vector<4000x1xf32>
    %mul3A_67 = vector.broadcast %mul3A_66 : vector<4000x1xf32> to vector<4000x32xf32>
    %mul3A_68 = vector.broadcast %convert_element_type3A_61 : vector<1x32xf32> to vector<4000x32xf32>
    %mul3A_69 = arith.mulf %mul3A_67, %mul3A_68 : vector<4000x32xf32>
    %add3A_70 = arith.constant 5.000000e-01 : f32
    %add3A_71 = vector.broadcast %add3A_70 : f32 to vector<4000x32xf32>
    %add3A_72 = arith.addf %mul3A_69, %add3A_71 : vector<4000x32xf32>
    %floor3A = math.floor %add3A_72 : vector<4000x32xf32>
    %sub3A_73 = arith.subf %mul3A_69, %floor3A : vector<4000x32xf32>
    %mul3A_74 = arith.constant 6.28318548 : f32
    %mul3A_75 = vector.broadcast %mul3A_74 : f32 to vector<4000x32xf32>
    %mul3A_76 = arith.mulf %mul3A_75, %sub3A_73 : vector<4000x32xf32>
    %mul3A_77 = arith.mulf %mul3A_76, %mul3A_76 : vector<4000x32xf32>
    %mul3A_78 = arith.constant 7.6471636E-13 : f32
    %mul3A_79 = vector.broadcast %mul3A_78 : f32 to vector<4000x32xf32>
    %mul3A_80 = arith.mulf %mul3A_77, %mul3A_79 : vector<4000x32xf32>
    %sub3A_81 = arith.constant 1.60590444E-10 : f32
    %sub3A_82 = vector.broadcast %sub3A_81 : f32 to vector<4000x32xf32>
    %sub3A_83 = arith.subf %sub3A_82, %mul3A_80 : vector<4000x32xf32>
    %mul3A_84 = arith.mulf %mul3A_77, %sub3A_83 : vector<4000x32xf32>
    %add3A_85 = arith.constant -2.50521079E-8 : f32
    %add3A_86 = vector.broadcast %add3A_85 : f32 to vector<4000x32xf32>
    %add3A_87 = arith.addf %add3A_86, %mul3A_84 : vector<4000x32xf32>
    %mul3A_88 = arith.mulf %mul3A_77, %add3A_87 : vector<4000x32xf32>
    %add3A_89 = arith.constant 2.75573188E-6 : f32
    %add3A_90 = vector.broadcast %add3A_89 : f32 to vector<4000x32xf32>
    %add3A_91 = arith.addf %add3A_90, %mul3A_88 : vector<4000x32xf32>
    %mul3A_92 = arith.mulf %mul3A_77, %add3A_91 : vector<4000x32xf32>
    %add3A_93 = arith.constant -1.98412701E-4 : f32
    %add3A_94 = vector.broadcast %add3A_93 : f32 to vector<4000x32xf32>
    %add3A_95 = arith.addf %add3A_94, %mul3A_92 : vector<4000x32xf32>
    %mul3A_96 = arith.mulf %mul3A_77, %add3A_95 : vector<4000x32xf32>
    %add3A_97 = arith.constant 0.00833333377 : f32
    %add3A_98 = vector.broadcast %add3A_97 : f32 to vector<4000x32xf32>
    %add3A_99 = arith.addf %add3A_98, %mul3A_96 : vector<4000x32xf32>
    %mul3A_100 = arith.mulf %mul3A_77, %add3A_99 : vector<4000x32xf32>
    %add3A_101 = arith.constant -0.166666672 : f32
    %add3A_102 = vector.broadcast %add3A_101 : f32 to vector<4000x32xf32>
    %add3A_103 = arith.addf %add3A_102, %mul3A_100 : vector<4000x32xf32>
    %mul3A_104 = arith.mulf %mul3A_77, %add3A_103 : vector<4000x32xf32>
    %add3A_105 = arith.constant 1.000000e+00 : f32
    %add3A_106 = vector.broadcast %add3A_105 : f32 to vector<4000x32xf32>
    %add3A_107 = arith.addf %add3A_106, %mul3A_104 : vector<4000x32xf32>
    %mul3A_108 = arith.mulf %mul3A_76, %add3A_107 : vector<4000x32xf32>
    %lt3A = arith.constant 2.500000e+00 : f32
    %lt3A_109 = vector.broadcast %lt3A : f32 to vector<4000x1xf32>
    %lt3A_110 = arith.cmpf olt, %sqrt3A, %lt3A_109 : vector<4000x1xf32>
    %and3A = arith.andi %gt3A_5, %lt3A_110 : vector<4000x1xi1>
    %mul3A_111 = arith.constant 0.89442718 : f32
    %mul3A_112 = vector.broadcast %mul3A_111 : f32 to vector<4000x32xf32>
    %mul3A_113 = arith.mulf %mul3A_112, %mul3A_108 : vector<4000x32xf32>
    %mul3A_114 = vector.broadcast %div3A_8 : vector<4000x1xf32> to vector<4000x32xf32>
    %mul3A_115 = arith.mulf %mul3A_113, %mul3A_114 : vector<4000x32xf32>
    %jit3A_116 = arith.constant 0.000000e+00 : f32
    %broadcast_in_dim3A_117 = vector.shape_cast %and3A : vector<4000x1xi1> to vector<4000x1xi1>
    %broadcast_in_dim3A_118 = vector.broadcast %broadcast_in_dim3A_117 : vector<4000x1xi1> to vector<4000x32xi1>
    %broadcast_in_dim3A_119 = vector.broadcast %jit3A_116 : f32 to vector<4000x32xf32>
    %select_n3A_120 = arith.select %broadcast_in_dim3A_118, %mul3A_115, %broadcast_in_dim3A_119 : vector<4000x32xi1>, vector<4000x32xf32>
    %convert_element_type3A_121 = arith.truncf %select_n3A_120 : vector<4000x32xf32> to vector<4000x32xbf16>
    %get3A_122 = arith.constant 0 : index
    %get3A_123 = arith.constant 0 : index
    %get3A_124 = vector.load %arg2[%get3A_122, %get3A_123] : memref<32x32xbf16, #tpu.memory_space<vmem>>, vector<32x32xbf16>
    %dot_general3A_125 = arith.constant dense<0.000000e+00> : vector<4000x32xf32>
    %dot_general3A_126 = tpu.matmul %convert_element_type3A_121, %get3A_124, %dot_general3A_125 {dimension_numbers = #tpu.dot_dimension_numbers<[1], [0], [0], [1], [0, 0, 1, 1], [], []>, transpose_lhs_hint = false} : vector<4000x32xbf16>, vector<32x32xbf16>, vector<4000x32xf32> -> vector<4000x32xf32>
    %logistic3A = arith.negf %dot_general3A_126 : vector<4000x32xf32>
    %logistic3A_127 = math.exp %logistic3A : vector<4000x32xf32>
    %logistic3A_128 = arith.constant 1.000000e+00 : f32
    %logistic3A_129 = vector.broadcast %logistic3A_128 : f32 to vector<4000x32xf32>
    %logistic3A_130 = arith.addf %logistic3A_129, %logistic3A_127 : vector<4000x32xf32>
    %logistic3A_131 = arith.divf %logistic3A_129, %logistic3A_130 : vector<4000x32xf32>
    %mul3A_132 = arith.mulf %dot_general3A_126, %logistic3A_131 : vector<4000x32xf32>
    %convert_element_type3A_133 = arith.truncf %mul3A_132 : vector<4000x32xf32> to vector<4000x32xbf16>
    %get3A_134 = arith.constant 0 : index
    %get3A_135 = arith.constant 0 : index
    %get3A_136 = vector.load %arg4[%get3A_134, %get3A_135] : memref<32x1024xbf16, #tpu.memory_space<vmem>>, vector<32x1024xbf16>
    %dot_general3A_137 = arith.constant dense<0.000000e+00> : vector<4000x1024xf32>
    %dot_general3A_138 = tpu.matmul %convert_element_type3A_133, %get3A_136, %dot_general3A_137 {dimension_numbers = #tpu.dot_dimension_numbers<[1], [0], [0], [1], [0, 0, 1, 1], [], []>, transpose_lhs_hint = false} : vector<4000x32xbf16>, vector<32x1024xbf16>, vector<4000x1024xf32> -> vector<4000x1024xf32>
    %convert_element_type3A_139 = arith.truncf %slice3A : vector<4000x32xf32> to vector<4000x32xbf16>
    %get3A_140 = arith.constant 0 : index
    %get3A_141 = arith.constant 0 : index
    %get3A_142 = vector.load %arg5[%get3A_140, %get3A_141] : memref<32x1024xbf16, #tpu.memory_space<vmem>>, vector<32x1024xbf16>
    %dot_general3A_143 = arith.constant dense<0.000000e+00> : vector<4000x1024xf32>
    %dot_general3A_144 = tpu.matmul %convert_element_type3A_139, %get3A_142, %dot_general3A_143 {dimension_numbers = #tpu.dot_dimension_numbers<[1], [0], [0], [1], [0, 0, 1, 1], [], []>, transpose_lhs_hint = false} : vector<4000x32xbf16>, vector<32x1024xbf16>, vector<4000x1024xf32> -> vector<4000x1024xf32>
    %convert_element_type3A_145 = arith.truncf %dot_general3A_138 : vector<4000x1024xf32> to vector<4000x1024xbf16>
    %convert_element_type3A_146 = arith.truncf %dot_general3A_144 : vector<4000x1024xf32> to vector<4000x1024xbf16>
    %mul3A_147 = arith.mulf %convert_element_type3A_145, %convert_element_type3A_146 : vector<4000x1024xbf16>
    %swap3A = arith.constant 0 : index
    %swap3A_148 = arith.constant 0 : index
    %swap3A_149 = vector.load %arg9[%swap3A, %swap3A_148] : memref<4000x1024xbf16, #tpu.memory_space<vmem>>, vector<4000x1024xbf16>
    tpu.vector_store %arg9[%swap3A, %swap3A_148], %mul3A_147 {strides = array<i32>} : memref<4000x1024xbf16, #tpu.memory_space<vmem>>, vector<4000x1024xbf16>,
    %get3A_150 = arith.constant 0 : index
    %get3A_151 = arith.constant 0 : index
    %get3A_152 = vector.load %arg9[%get3A_150, %get3A_151] : memref<4000x1024xbf16, #tpu.memory_space<vmem>>, vector<4000x1024xbf16>
    %get3A_153 = arith.constant 0 : index
    %get3A_154 = arith.constant 0 : index
    %get3A_155 = vector.load %arg3[%get3A_153, %get3A_154] : memref<1024x256xbf16, #tpu.memory_space<vmem>>, vector<1024x256xbf16>
    %dot_general3A_156 = arith.constant dense<0.000000e+00> : vector<4000x256xf32>
    %dot_general3A_157 = tpu.matmul %get3A_152, %get3A_155, %dot_general3A_156 {dimension_numbers = #tpu.dot_dimension_numbers<[1], [0], [0], [1], [0, 0, 1, 1], [], []>, transpose_lhs_hint = false} : vector<4000x1024xbf16>, vector<1024x256xbf16>, vector<4000x256xf32> -> vector<4000x256xf32>
    %mul3A_158 = arith.mulf %dot_general3A_157, %dot_general3A_55 : vector<4000x256xf32>
    %slice3A_159 = vector.extract_strided_slice %mul3A_158 {offsets = [0, 0], sizes = [4000, 128], strides = [1, 1]} : vector<4000x256xf32> to vector<4000x128xf32>
    %swap3A_160 = arith.constant 0 : index
    %swap3A_161 = arith.constant 0 : index
    %swap3A_162 = vector.load %arg7[%swap3A_160, %swap3A_161] : memref<4000x128xf32, #tpu.memory_space<vmem>>, vector<4000x128xf32>
    tpu.vector_store %arg7[%swap3A_160, %swap3A_161], %slice3A_159 {strides = array<i32>} : memref<4000x128xf32, #tpu.memory_space<vmem>>, vector<4000x128xf32>,
    %slice3A_163 = vector.extract_strided_slice %mul3A_158 {offsets = [0, 128], sizes = [4000, 128], strides = [1, 1]} : vector<4000x256xf32> to vector<4000x128xf32>
    %swap3A_164 = arith.constant 0 : index
    %swap3A_165 = arith.constant 0 : index
    %swap3A_166 = vector.load %arg8[%swap3A_164, %swap3A_165] : memref<4000x128xf32, #tpu.memory_space<vmem>>, vector<4000x128xf32>
    tpu.vector_store %arg8[%swap3A_164, %swap3A_165], %slice3A_163 {strides = array<i32>} : memref<4000x128xf32, #tpu.memory_space<vmem>>, vector<4000x128xf32>,
    return
  }
  func.func @transform_0(%arg0: i32) -> (i32, i32) {
    %c0_i32 = arith.constant 0 : i32
    %c0_i32_0 = arith.constant 0 : i32
    return %arg0, %c0_i32 : i32, i32
  }
  func.func @transform_1(%arg0: i32) -> (i32, i32) {
    %c0_i32 = arith.constant 0 : i32
    %c0_i32_0 = arith.constant 0 : i32
    %c0_i32_1 = arith.constant 0 : i32
    return %c0_i32, %c0_i32_0 : i32, i32
  }
  func.func @transform_2(%arg0: i32) -> (i32, i32) {
    %c0_i32 = arith.constant 0 : i32
    %c0_i32_0 = arith.constant 0 : i32
    %c0_i32_1 = arith.constant 0 : i32
    return %c0_i32, %c0_i32_0 : i32, i32
  }
  func.func @transform_3(%arg0: i32) -> (i32, i32) {
    %c0_i32 = arith.constant 0 : i32
    %c0_i32_0 = arith.constant 0 : i32
    %c0_i32_1 = arith.constant 0 : i32
    return %c0_i32, %c0_i32_0 : i32, i32
  }
  func.func @transform_4(%arg0: i32) -> (i32, i32) {
    %c0_i32 = arith.constant 0 : i32
    %c0_i32_0 = arith.constant 0 : i32
    %c0_i32_1 = arith.constant 0 : i32
    return %c0_i32, %c0_i32_0 : i32, i32
  }
  func.func @transform_5(%arg0: i32) -> (i32, i32) {
    %c0_i32 = arith.constant 0 : i32
    %c0_i32_0 = arith.constant 0 : i32
    %c0_i32_1 = arith.constant 0 : i32
    return %c0_i32, %c0_i32_0 : i32, i32
  }
  func.func @transform_6(%arg0: i32) -> (i32, i32) {
    %c0_i32 = arith.constant 0 : i32
    %c0_i32_0 = arith.constant 0 : i32
    return %arg0, %c0_i32 : i32, i32
  }
  func.func @transform_7(%arg0: i32) -> (i32, i32) {
    %c0_i32 = arith.constant 0 : i32
    %c0_i32_0 = arith.constant 0 : i32
    return %arg0, %c0_i32 : i32, i32
  }
}

module attributes {stable_mosaic.version = 14 : i64} {
  func.func @_dense_body(%arg0: i32, %arg1: memref<4000x128xf32, #tpu.memory_space<vmem>>, %arg2: memref<32x32xbf16, #tpu.memory_space<vmem>>, %arg3: memref<1024x256xbf16, #tpu.memory_space<vmem>>, %arg4: memref<32x1024xbf16, #tpu.memory_space<vmem>>, %arg5: memref<32x1024xbf16, #tpu.memory_space<vmem>>, %arg6: memref<9x256xbf16, #tpu.memory_space<vmem>>, %arg7: memref<4000x128xf32, #tpu.memory_space<vmem>>, %arg8: memref<4000x128xf32, #tpu.memory_space<vmem>>, %arg9: memref<4000x1024xbf16, #tpu.memory_space<vmem>>) attributes {dimension_semantics = [#tpu.dimension_semantics<parallel>], iteration_bounds = array<i64: 16>, scalar_prefetch = 0 : i64, scratch_operands = 1 : i64, tpu.core_type = #tpu.core_type<tc>, window_params = [{transform_indices = @transform_0, window_bounds = array<i64: 4000, 128>}, {pipeline_mode = #tpu.pipeline_mode<synchronous>, transform_indices = @transform_1, window_bounds = array<i64: 32, 32>}, {pipeline_mode = #tpu.pipeline_mode<synchronous>, transform_indices = @transform_2, window_bounds = array<i64: 1024, 256>}, {pipeline_mode = #tpu.pipeline_mode<synchronous>, transform_indices = @transform_3, window_bounds = array<i64: 32, 1024>}, {pipeline_mode = #tpu.pipeline_mode<synchronous>, transform_indices = @transform_4, window_bounds = array<i64: 32, 1024>}, {pipeline_mode = #tpu.pipeline_mode<synchronous>, transform_indices = @transform_5, window_bounds = array<i64: 9, 256>}, {transform_indices = @transform_6, window_bounds = array<i64: 4000, 128>}, {transform_indices = @transform_7, window_bounds = array<i64: 4000, 128>}]} {
    %get3A = arith.constant 0 : index
    %get3A_0 = arith.constant 0 : index
    %get3A_1 = vector.load %arg1[%get3A, %get3A_0] : memref<4000x128xf32, #tpu.memory_space<vmem>>, vector<4000x128xf32>
    %slice3A = vector.extract_strided_slice %get3A_1 {offsets = [0, 0], sizes = [4000, 32], strides = [1, 1]} : vector<4000x128xf32> to vector<4000x32xf32>
    %slice3A_2 = vector.extract_strided_slice %get3A_1 {offsets = [0, 32], sizes = [4000, 3], strides = [1, 1]} : vector<4000x128xf32> to vector<4000x3xf32>
    %mul3A = arith.mulf %slice3A_2, %slice3A_2 : vector<4000x3xf32>
    %reduce_sum3A = arith.constant dense<0.000000e+00> : vector<4000xf32>
    %reduce_sum3A_3 = vector.multi_reduction <add>, %mul3A, %reduce_sum3A [1] : vector<4000x3xf32> to vector<4000xf32>
    %broadcast_in_dim3A = vector.shape_cast %reduce_sum3A_3 : vector<4000xf32> to vector<4000x1xf32>
    %sqrt3A = math.sqrt %broadcast_in_dim3A : vector<4000x1xf32>
    %gt3A = arith.constant 0.000000e+00 : f32
    %gt3A_4 = vector.broadcast %gt3A : f32 to vector<4000x1xf32>
    %gt3A_5 = arith.cmpf ogt, %sqrt3A, %gt3A_4 : vector<4000x1xf32>
    %jit3A = arith.constant 1.000000e+00 : f32
    %broadcast_in_dim3A_6 = vector.broadcast %jit3A : f32 to vector<4000x1xf32>
    %select_n3A = arith.select %gt3A_5, %sqrt3A, %broadcast_in_dim3A_6 : vector<4000x1xi1>, vector<4000x1xf32>
    %div3A = arith.constant 1.000000e+00 : f32
    %div3A_7 = vector.broadcast %div3A : f32 to vector<4000x1xf32>
    %div3A_8 = arith.divf %div3A_7, %select_n3A : vector<4000x1xf32>
    %mul3A_9 = vector.broadcast %div3A_8 : vector<4000x1xf32> to vector<4000x3xf32>
    %mul3A_10 = arith.mulf %slice3A_2, %mul3A_9 : vector<4000x3xf32>
    %slice3A_11 = vector.extract_strided_slice %mul3A_10 {offsets = [0, 0], sizes = [4000, 1], strides = [1, 1]} : vector<4000x3xf32> to vector<4000x1xf32>
    %slice3A_12 = vector.extract_strided_slice %mul3A_10 {offsets = [0, 1], sizes = [4000, 1], strides = [1, 1]} : vector<4000x3xf32> to vector<4000x1xf32>
    %slice3A_13 = vector.extract_strided_slice %mul3A_10 {offsets = [0, 2], sizes = [4000, 1], strides = [1, 1]} : vector<4000x3xf32> to vector<4000x1xf32>
    %broadcast_in_dim3A_14 = arith.constant 1.000000e+00 : f32
    %broadcast_in_dim3A_15 = vector.broadcast %broadcast_in_dim3A_14 : f32 to vector<4000x1xf32>
    %mul3A_16 = arith.constant 1.73205078 : f32
    %mul3A_17 = vector.broadcast %mul3A_16 : f32 to vector<4000x1xf32>
    %mul3A_18 = arith.mulf %mul3A_17, %slice3A_11 : vector<4000x1xf32>
    %mul3A_19 = arith.constant 1.73205078 : f32
    %mul3A_20 = vector.broadcast %mul3A_19 : f32 to vector<4000x1xf32>
    %mul3A_21 = arith.mulf %mul3A_20, %slice3A_12 : vector<4000x1xf32>
    %mul3A_22 = arith.constant 1.73205078 : f32
    %mul3A_23 = vector.broadcast %mul3A_22 : f32 to vector<4000x1xf32>
    %mul3A_24 = arith.mulf %mul3A_23, %slice3A_13 : vector<4000x1xf32>
    %mul3A_25 = arith.constant 3.87298346 : f32
    %mul3A_26 = vector.broadcast %mul3A_25 : f32 to vector<4000x1xf32>
    %mul3A_27 = arith.mulf %mul3A_26, %slice3A_11 : vector<4000x1xf32>
    %mul3A_28 = arith.mulf %mul3A_27, %slice3A_13 : vector<4000x1xf32>
    %mul3A_29 = arith.constant 3.87298346 : f32
    %mul3A_30 = vector.broadcast %mul3A_29 : f32 to vector<4000x1xf32>
    %mul3A_31 = arith.mulf %mul3A_30, %slice3A_11 : vector<4000x1xf32>
    %mul3A_32 = arith.mulf %mul3A_31, %slice3A_12 : vector<4000x1xf32>
    %mul3A_33 = arith.mulf %slice3A_12, %slice3A_12 : vector<4000x1xf32>
    %mul3A_34 = arith.mulf %slice3A_11, %slice3A_11 : vector<4000x1xf32>
    %mul3A_35 = arith.mulf %slice3A_13, %slice3A_13 : vector<4000x1xf32>
    %add3A = arith.addf %mul3A_34, %mul3A_35 : vector<4000x1xf32>
    %mul3A_36 = arith.constant 5.000000e-01 : f32
    %mul3A_37 = vector.broadcast %mul3A_36 : f32 to vector<4000x1xf32>
    %mul3A_38 = arith.mulf %mul3A_37, %add3A : vector<4000x1xf32>
    %sub3A = arith.subf %mul3A_33, %mul3A_38 : vector<4000x1xf32>
    %mul3A_39 = arith.constant 2.23606801 : f32
    %mul3A_40 = vector.broadcast %mul3A_39 : f32 to vector<4000x1xf32>
    %mul3A_41 = arith.mulf %mul3A_40, %sub3A : vector<4000x1xf32>
    %mul3A_42 = arith.constant 3.87298346 : f32
    %mul3A_43 = vector.broadcast %mul3A_42 : f32 to vector<4000x1xf32>
    %mul3A_44 = arith.mulf %mul3A_43, %slice3A_12 : vector<4000x1xf32>
    %mul3A_45 = arith.mulf %mul3A_44, %slice3A_13 : vector<4000x1xf32>
    %mul3A_46 = arith.mulf %slice3A_13, %slice3A_13 : vector<4000x1xf32>
    %mul3A_47 = arith.mulf %slice3A_11, %slice3A_11 : vector<4000x1xf32>
    %sub3A_48 = arith.subf %mul3A_46, %mul3A_47 : vector<4000x1xf32>
    %mul3A_49 = arith.constant 1.93649173 : f32
    %mul3A_50 = vector.broadcast %mul3A_49 : f32 to vector<4000x1xf32>
    %mul3A_51 = arith.mulf %mul3A_50, %sub3A_48 : vector<4000x1xf32>
    %concatenate3A = tpu.concatenate %broadcast_in_dim3A_15, %mul3A_18, %mul3A_21, %mul3A_24, %mul3A_28, %mul3A_32, %mul3A_41, %mul3A_45, %mul3A_51 in 1 : vector<4000x1xf32>, vector<4000x1xf32>, vector<4000x1xf32>, vector<4000x1xf32>, vector<4000x1xf32>, vector<4000x1xf32>, vector<4000x1xf32>, vector<4000x1xf32>, vector<4000x1xf32> -> vector<4000x9xf32>
    %convert_element_type3A = arith.truncf %concatenate3A : vector<4000x9xf32> to vector<4000x9xbf16>
    %get3A_52 = arith.constant 0 : index
    %get3A_53 = arith.constant 0 : index
    %get3A_54 = vector.load %arg6[%get3A_52, %get3A_53] : memref<9x256xbf16, #tpu.memory_space<vmem>>, vector<9x256xbf16>
    %dot_general3A = arith.constant dense<0.000000e+00> : vector<4000x256xf32>
    %dot_general3A_55 = tpu.matmul %convert_element_type3A, %get3A_54, %dot_general3A {dimension_numbers = #tpu.dot_dimension_numbers<[1], [0], [0], [1], [0, 0, 1, 1], [], []>, transpose_lhs_hint = false} : vector<4000x9xbf16>, vector<9x256xbf16>, vector<4000x256xf32> -> vector<4000x256xf32>
    %iota3A = tpu.iota {dimensions = array<i32: 1>} : vector<1x32xi32>
    %iota3A_56 = vector.shape_cast %iota3A : vector<1x32xi32> to vector<32xi32>
    %add3A_57 = arith.constant 1 : i32
    %add3A_58 = vector.broadcast %add3A_57 : i32 to vector<32xi32>
    %add3A_59 = arith.addi %add3A_58, %iota3A_56 : vector<32xi32>
    %broadcast_in_dim3A_60 = vector.shape_cast %add3A_59 : vector<32xi32> to vector<1x32xi32>
    %convert_element_type3A_61 = arith.sitofp %broadcast_in_dim3A_60 : vector<1x32xi32> to vector<1x32xf32>
    %min3A = arith.constant 2.500000e+00 : f32
    %min3A_62 = vector.broadcast %min3A : f32 to vector<4000x1xf32>
    %min3A_63 = arith.minimumf %sqrt3A, %min3A_62 : vector<4000x1xf32>
    %mul3A_64 = arith.constant 2.000000e-01 : f32
    %mul3A_65 = vector.broadcast %mul3A_64 : f32 to vector<4000x1xf32>
    %mul3A_66 = arith.mulf %mul3A_65, %min3A_63 : vector<4000x1xf32>
    %mul3A_67 = vector.broadcast %mul3A_66 : vector<4000x1xf32> to vector<4000x32xf32>
    %mul3A_68 = vector.broadcast %convert_element_type3A_61 : vector<1x32xf32> to vector<4000x32xf32>
    %mul3A_69 = arith.mulf %mul3A_67, %mul3A_68 : vector<4000x32xf32>
    %add3A_70 = arith.constant 5.000000e-01 : f32
    %add3A_71 = vector.broadcast %add3A_70 : f32 to vector<4000x32xf32>
    %add3A_72 = arith.addf %mul3A_69, %add3A_71 : vector<4000x32xf32>
    %floor3A = math.floor %add3A_72 : vector<4000x32xf32>
    %sub3A_73 = arith.subf %mul3A_69, %floor3A : vector<4000x32xf32>
    %mul3A_74 = arith.constant 6.28318548 : f32
    %mul3A_75 = vector.broadcast %mul3A_74 : f32 to vector<4000x32xf32>
    %mul3A_76 = arith.mulf %mul3A_75, %sub3A_73 : vector<4000x32xf32>
    %mul3A_77 = arith.mulf %mul3A_76, %mul3A_76 : vector<4000x32xf32>
    %mul3A_78 = arith.constant 7.6471636E-13 : f32
    %mul3A_79 = vector.broadcast %mul3A_78 : f32 to vector<4000x32xf32>
    %mul3A_80 = arith.mulf %mul3A_77, %mul3A_79 : vector<4000x32xf32>
    %sub3A_81 = arith.constant 1.60590444E-10 : f32
    %sub3A_82 = vector.broadcast %sub3A_81 : f32 to vector<4000x32xf32>
    %sub3A_83 = arith.subf %sub3A_82, %mul3A_80 : vector<4000x32xf32>
    %mul3A_84 = arith.mulf %mul3A_77, %sub3A_83 : vector<4000x32xf32>
    %add3A_85 = arith.constant -2.50521079E-8 : f32
    %add3A_86 = vector.broadcast %add3A_85 : f32 to vector<4000x32xf32>
    %add3A_87 = arith.addf %add3A_86, %mul3A_84 : vector<4000x32xf32>
    %mul3A_88 = arith.mulf %mul3A_77, %add3A_87 : vector<4000x32xf32>
    %add3A_89 = arith.constant 2.75573188E-6 : f32
    %add3A_90 = vector.broadcast %add3A_89 : f32 to vector<4000x32xf32>
    %add3A_91 = arith.addf %add3A_90, %mul3A_88 : vector<4000x32xf32>
    %mul3A_92 = arith.mulf %mul3A_77, %add3A_91 : vector<4000x32xf32>
    %add3A_93 = arith.constant -1.98412701E-4 : f32
    %add3A_94 = vector.broadcast %add3A_93 : f32 to vector<4000x32xf32>
    %add3A_95 = arith.addf %add3A_94, %mul3A_92 : vector<4000x32xf32>
    %mul3A_96 = arith.mulf %mul3A_77, %add3A_95 : vector<4000x32xf32>
    %add3A_97 = arith.constant 0.00833333377 : f32
    %add3A_98 = vector.broadcast %add3A_97 : f32 to vector<4000x32xf32>
    %add3A_99 = arith.addf %add3A_98, %mul3A_96 : vector<4000x32xf32>
    %mul3A_100 = arith.mulf %mul3A_77, %add3A_99 : vector<4000x32xf32>
    %add3A_101 = arith.constant -0.166666672 : f32
    %add3A_102 = vector.broadcast %add3A_101 : f32 to vector<4000x32xf32>
    %add3A_103 = arith.addf %add3A_102, %mul3A_100 : vector<4000x32xf32>
    %mul3A_104 = arith.mulf %mul3A_77, %add3A_103 : vector<4000x32xf32>
    %add3A_105 = arith.constant 1.000000e+00 : f32
    %add3A_106 = vector.broadcast %add3A_105 : f32 to vector<4000x32xf32>
    %add3A_107 = arith.addf %add3A_106, %mul3A_104 : vector<4000x32xf32>
    %mul3A_108 = arith.mulf %mul3A_76, %add3A_107 : vector<4000x32xf32>
    %lt3A = arith.constant 2.500000e+00 : f32
    %lt3A_109 = vector.broadcast %lt3A : f32 to vector<4000x1xf32>
    %lt3A_110 = arith.cmpf olt, %sqrt3A, %lt3A_109 : vector<4000x1xf32>
    %and3A = arith.andi %gt3A_5, %lt3A_110 : vector<4000x1xi1>
    %mul3A_111 = arith.constant 0.89442718 : f32
    %mul3A_112 = vector.broadcast %mul3A_111 : f32 to vector<4000x32xf32>
    %mul3A_113 = arith.mulf %mul3A_112, %mul3A_108 : vector<4000x32xf32>
    %mul3A_114 = vector.broadcast %div3A_8 : vector<4000x1xf32> to vector<4000x32xf32>
    %mul3A_115 = arith.mulf %mul3A_113, %mul3A_114 : vector<4000x32xf32>
    %jit3A_116 = arith.constant 0.000000e+00 : f32
    %broadcast_in_dim3A_117 = vector.shape_cast %and3A : vector<4000x1xi1> to vector<4000x1xi1>
    %broadcast_in_dim3A_118 = vector.broadcast %broadcast_in_dim3A_117 : vector<4000x1xi1> to vector<4000x32xi1>
    %broadcast_in_dim3A_119 = vector.broadcast %jit3A_116 : f32 to vector<4000x32xf32>
    %select_n3A_120 = arith.select %broadcast_in_dim3A_118, %mul3A_115, %broadcast_in_dim3A_119 : vector<4000x32xi1>, vector<4000x32xf32>
    %convert_element_type3A_121 = arith.truncf %select_n3A_120 : vector<4000x32xf32> to vector<4000x32xbf16>
    %get3A_122 = arith.constant 0 : index
    %get3A_123 = arith.constant 0 : index
    %get3A_124 = vector.load %arg2[%get3A_122, %get3A_123] : memref<32x32xbf16, #tpu.memory_space<vmem>>, vector<32x32xbf16>
    %dot_general3A_125 = arith.constant dense<0.000000e+00> : vector<4000x32xf32>
    %dot_general3A_126 = tpu.matmul %convert_element_type3A_121, %get3A_124, %dot_general3A_125 {dimension_numbers = #tpu.dot_dimension_numbers<[1], [0], [0], [1], [0, 0, 1, 1], [], []>, transpose_lhs_hint = false} : vector<4000x32xbf16>, vector<32x32xbf16>, vector<4000x32xf32> -> vector<4000x32xf32>
    %logistic3A = arith.negf %dot_general3A_126 : vector<4000x32xf32>
    %logistic3A_127 = math.exp %logistic3A : vector<4000x32xf32>
    %logistic3A_128 = arith.constant 1.000000e+00 : f32
    %logistic3A_129 = vector.broadcast %logistic3A_128 : f32 to vector<4000x32xf32>
    %logistic3A_130 = arith.addf %logistic3A_129, %logistic3A_127 : vector<4000x32xf32>
    %logistic3A_131 = arith.divf %logistic3A_129, %logistic3A_130 : vector<4000x32xf32>
    %mul3A_132 = arith.mulf %dot_general3A_126, %logistic3A_131 : vector<4000x32xf32>
    %convert_element_type3A_133 = arith.truncf %mul3A_132 : vector<4000x32xf32> to vector<4000x32xbf16>
    %get3A_134 = arith.constant 0 : index
    %get3A_135 = arith.constant 0 : index
    %get3A_136 = vector.load %arg4[%get3A_134, %get3A_135] : memref<32x1024xbf16, #tpu.memory_space<vmem>>, vector<32x1024xbf16>
    %dot_general3A_137 = arith.constant dense<0.000000e+00> : vector<4000x1024xf32>
    %dot_general3A_138 = tpu.matmul %convert_element_type3A_133, %get3A_136, %dot_general3A_137 {dimension_numbers = #tpu.dot_dimension_numbers<[1], [0], [0], [1], [0, 0, 1, 1], [], []>, transpose_lhs_hint = false} : vector<4000x32xbf16>, vector<32x1024xbf16>, vector<4000x1024xf32> -> vector<4000x1024xf32>
    %convert_element_type3A_139 = arith.truncf %slice3A : vector<4000x32xf32> to vector<4000x32xbf16>
    %get3A_140 = arith.constant 0 : index
    %get3A_141 = arith.constant 0 : index
    %get3A_142 = vector.load %arg5[%get3A_140, %get3A_141] : memref<32x1024xbf16, #tpu.memory_space<vmem>>, vector<32x1024xbf16>
    %dot_general3A_143 = arith.constant dense<0.000000e+00> : vector<4000x1024xf32>
    %dot_general3A_144 = tpu.matmul %convert_element_type3A_139, %get3A_142, %dot_general3A_143 {dimension_numbers = #tpu.dot_dimension_numbers<[1], [0], [0], [1], [0, 0, 1, 1], [], []>, transpose_lhs_hint = false} : vector<4000x32xbf16>, vector<32x1024xbf16>, vector<4000x1024xf32> -> vector<4000x1024xf32>
    %convert_element_type3A_145 = arith.truncf %dot_general3A_138 : vector<4000x1024xf32> to vector<4000x1024xbf16>
    %convert_element_type3A_146 = arith.truncf %dot_general3A_144 : vector<4000x1024xf32> to vector<4000x1024xbf16>
    %mul3A_147 = arith.mulf %convert_element_type3A_145, %convert_element_type3A_146 : vector<4000x1024xbf16>
    %swap3A = arith.constant 0 : index
    %swap3A_148 = arith.constant 0 : index
    %swap3A_149 = vector.load %arg9[%swap3A, %swap3A_148] : memref<4000x1024xbf16, #tpu.memory_space<vmem>>, vector<4000x1024xbf16>
    tpu.vector_store %arg9[%swap3A, %swap3A_148], %mul3A_147 {strides = array<i32>} : memref<4000x1024xbf16, #tpu.memory_space<vmem>>, vector<4000x1024xbf16>,
    %get3A_150 = arith.constant 0 : index
    %get3A_151 = arith.constant 0 : index
    %get3A_152 = vector.load %arg9[%get3A_150, %get3A_151] : memref<4000x1024xbf16, #tpu.memory_space<vmem>>, vector<4000x1024xbf16>
    %get3A_153 = arith.constant 0 : index
    %get3A_154 = arith.constant 0 : index
    %get3A_155 = vector.load %arg3[%get3A_153, %get3A_154] : memref<1024x256xbf16, #tpu.memory_space<vmem>>, vector<1024x256xbf16>
    %dot_general3A_156 = arith.constant dense<0.000000e+00> : vector<4000x256xf32>
    %dot_general3A_157 = tpu.matmul %get3A_152, %get3A_155, %dot_general3A_156 {dimension_numbers = #tpu.dot_dimension_numbers<[1], [0], [0], [1], [0, 0, 1, 1], [], []>, transpose_lhs_hint = false} : vector<4000x1024xbf16>, vector<1024x256xbf16>, vector<4000x256xf32> -> vector<4000x256xf32>
    %mul3A_158 = arith.mulf %dot_general3A_157, %dot_general3A_55 : vector<4000x256xf32>
    %slice3A_159 = vector.extract_strided_slice %mul3A_158 {offsets = [0, 0], sizes = [4000, 128], strides = [1, 1]} : vector<4000x256xf32> to vector<4000x128xf32>
    %swap3A_160 = arith.constant 0 : index
    %swap3A_161 = arith.constant 0 : index
    %swap3A_162 = vector.load %arg7[%swap3A_160, %swap3A_161] : memref<4000x128xf32, #tpu.memory_space<vmem>>, vector<4000x128xf32>
    tpu.vector_store %arg7[%swap3A_160, %swap3A_161], %slice3A_159 {strides = array<i32>} : memref<4000x128xf32, #tpu.memory_space<vmem>>, vector<4000x128xf32>,
    %slice3A_163 = vector.extract_strided_slice %mul3A_158 {offsets = [0, 128], sizes = [4000, 128], strides = [1, 1]} : vector<4000x256xf32> to vector<4000x128xf32>
    %swap3A_164 = arith.constant 0 : index
    %swap3A_165 = arith.constant 0 : index
    %swap3A_166 = vector.load %arg8[%swap3A_164, %swap3A_165] : memref<4000x128xf32, #tpu.memory_space<vmem>>, vector<4000x128xf32>
    tpu.vector_store %arg8[%swap3A_164, %swap3A_165], %slice3A_163 {strides = array<i32>} : memref<4000x128xf32, #tpu.memory_space<vmem>>, vector<4000x128xf32>,
    return
  }
  func.func @transform_0(%arg0: i32) -> (i32, i32) {
    %c0_i32 = arith.constant 0 : i32
    %c0_i32_0 = arith.constant 0 : i32
    return %arg0, %c0_i32 : i32, i32
  }
  func.func @transform_1(%arg0: i32) -> (i32, i32) {
    %c0_i32 = arith.constant 0 : i32
    %c0_i32_0 = arith.constant 0 : i32
    %c0_i32_1 = arith.constant 0 : i32
    return %c0_i32, %c0_i32_0 : i32, i32
  }
  func.func @transform_2(%arg0: i32) -> (i32, i32) {
    %c0_i32 = arith.constant 0 : i32
    %c0_i32_0 = arith.constant 0 : i32
    %c0_i32_1 = arith.constant 0 : i32
    return %c0_i32, %c0_i32_0 : i32, i32
  }
  func.func @transform_3(%arg0: i32) -> (i32, i32) {
    %c0_i32 = arith.constant 0 : i32
    %c0_i32_0 = arith.constant 0 : i32
    %c0_i32_1 = arith.constant 0 : i32
    return %c0_i32, %c0_i32_0 : i32, i32
  }
  func.func @transform_4(%arg0: i32) -> (i32, i32) {
    %c0_i32 = arith.constant 0 : i32
    %c0_i32_0 = arith.constant 0 : i32
    %c0_i32_1 = arith.constant 0 : i32
    return %c0_i32, %c0_i32_0 : i32, i32
  }
  func.func @transform_5(%arg0: i32) -> (i32, i32) {
    %c0_i32 = arith.constant 0 : i32
    %c0_i32_0 = arith.constant 0 : i32
    %c0_i32_1 = arith.constant 0 : i32
    return %c0_i32, %c0_i32_0 : i32, i32
  }
  func.func @transform_6(%arg0: i32) -> (i32, i32) {
    %c0_i32 = arith.constant 0 : i32
    %c0_i32_0 = arith.constant 0 : i32
    return %arg0, %c0_i32 : i32, i32
  }
  func.func @transform_7(%arg0: i32) -> (i32, i32) {
    %c0_i32 = arith.constant 0 : i32
    %c0_i32_0 = arith.constant 0 : i32
    return %arg0, %c0_i32 : i32, i32
  }
}

module attributes {stable_mosaic.version = 14 : i64} {
  func.func @_combine_body(%arg0: memref<2x10000x128xf32, #tpu.memory_space<vmem>>, %arg1: memref<2x10000x128xf32, #tpu.memory_space<vmem>>, %arg2: memref<144x144xf32, #tpu.memory_space<vmem>>, %arg3: memref<10000x144xf32, #tpu.memory_space<vmem>>) attributes {dimension_semantics = [], scalar_prefetch = 0 : i64, scratch_operands = 0 : i64, tpu.core_type = #tpu.core_type<tc>} {
    %get3A = arith.constant 0 : index
    %get3A_0 = arith.constant 0 : index
    %get3A_1 = arith.constant 0 : index
    %get3A_2 = vector.load %arg0[%get3A, %get3A_0, %get3A_1] : memref<2x10000x128xf32, #tpu.memory_space<vmem>>, vector<1x10000x128xf32>
    %get3A_3 = vector.shape_cast %get3A_2 : vector<1x10000x128xf32> to vector<10000x128xf32>
    %get3A_4 = arith.constant 0 : index
    %get3A_5 = arith.constant 0 : index
    %get3A_6 = arith.constant 0 : index
    %get3A_7 = vector.load %arg1[%get3A_4, %get3A_5, %get3A_6] : memref<2x10000x128xf32, #tpu.memory_space<vmem>>, vector<1x10000x128xf32>
    %get3A_8 = vector.shape_cast %get3A_7 : vector<1x10000x128xf32> to vector<10000x128xf32>
    %add3A = arith.addf %get3A_3, %get3A_8 : vector<10000x128xf32>
    %get3A_9 = arith.constant 1 : index
    %get3A_10 = arith.constant 0 : index
    %get3A_11 = arith.constant 0 : index
    %get3A_12 = vector.load %arg0[%get3A_9, %get3A_10, %get3A_11] : memref<2x10000x128xf32, #tpu.memory_space<vmem>>, vector<1x10000x128xf32>
    %get3A_13 = vector.shape_cast %get3A_12 : vector<1x10000x128xf32> to vector<10000x128xf32>
    %get3A_14 = arith.constant 1 : index
    %get3A_15 = arith.constant 0 : index
    %get3A_16 = arith.constant 0 : index
    %get3A_17 = vector.load %arg1[%get3A_14, %get3A_15, %get3A_16] : memref<2x10000x128xf32, #tpu.memory_space<vmem>>, vector<1x10000x128xf32>
    %get3A_18 = vector.shape_cast %get3A_17 : vector<1x10000x128xf32> to vector<10000x128xf32>
    %add3A_19 = arith.addf %get3A_13, %get3A_18 : vector<10000x128xf32>
    %slice3A = vector.extract_strided_slice %add3A_19 {offsets = [0, 0], sizes = [10000, 16], strides = [1, 1]} : vector<10000x128xf32> to vector<10000x16xf32>
    %concatenate3A = tpu.concatenate %add3A, %slice3A in 1 : vector<10000x128xf32>, vector<10000x16xf32> -> vector<10000x144xf32>
    %get3A_20 = arith.constant 0 : index
    %get3A_21 = arith.constant 0 : index
    %get3A_22 = vector.load %arg2[%get3A_20, %get3A_21] : memref<144x144xf32, #tpu.memory_space<vmem>>, vector<144x144xf32>
    %dot_general3A = arith.constant dense<0.000000e+00> : vector<10000x144xf32>
    %dot_general3A_23 = tpu.matmul %concatenate3A, %get3A_22, %dot_general3A {dimension_numbers = #tpu.dot_dimension_numbers<[1], [0], [0], [1], [0, 0, 1, 1], [], []>, transpose_lhs_hint = false} : vector<10000x144xf32>, vector<144x144xf32>, vector<10000x144xf32> -> vector<10000x144xf32>
    %swap3A = arith.constant 0 : index
    %swap3A_24 = arith.constant 0 : index
    %swap3A_25 = vector.load %arg3[%swap3A, %swap3A_24] : memref<10000x144xf32, #tpu.memory_space<vmem>>, vector<10000x144xf32>
    tpu.vector_store %arg3[%swap3A, %swap3A_24], %dot_general3A_23 {strides = array<i32>} : memref<10000x144xf32, #tpu.memory_space<vmem>>, vector<10000x144xf32>,
    return
  }
}

</mosaic_0001>

<sc_bundles>
// kernel: kernel.10.cloned.1.call-start
scs
__scs_entry_jumppad:
0x0: {  	(pc) =	sbr.rel $0x88, $3  }
0x1: {  	(tag) =	ssettag $0x0;
	lr =	simm.s32 $0x1  }
0x2: {  	[smem:$0x3F9A] =	sst lr;
	_ =	strace $0xD0000000  }
0x3: {  	_ = 	snop  }
0x4: {  	_ = 	snop  }
0x5: {  	_ = 	snop  }
0x6: {  	_ = 	snop  }
0x7: {  	_ = 	snop  }
__scs_overlays_trampoline_lowered:
0x8: {  	[smem:$0x3FA9] =	sst s0  }
0x9: {  	[smem:$0x3FAA] =	sst s1  }
0xa: {  	[smem:$0x3FAB] =	sst s2  }
0xb: {  	[smem:$0x3FAC] =	sst s3  }
0xc: {  	[smem:$0x3FAD] =	sst s4  }
0xd: {  	[smem:$0x3FAE] =	sst s5  }
0xe: {  	[smem:$0x3FAF] =	sst s6  }
0xf: {  	[smem:$0x3FB0] =	sst s7  }
0x10: {  	[smem:$0x3FB1] =	sst s8  }
0x11: {  	[smem:$0x3FB2] =	sst s9;
	s0 =	simm.s32 @!p0 $0x0  }
0x12: {  	s1 =	sld [smem:$0x3F98];
	s0 =	simm.s32 @p0 $0x1  }
0x13: {  	[smem:$0x3FB3] =	sst s0;
	s0 =	simm.s32 @!p1 $0x0  }
0x14: {  	s2 =	sld [smem:$0x3F97];
	s0 =	simm.s32 @p1 $0x1  }
0x15: {  	[smem:$0x3FB4] =	sst s0;
	s0 =	simm.s32 @!p2 $0x0  }
0x16: {  	s3 =	sld [smem:$0x3FDB];
	s0 =	simm.s32 @p2 $0x1  }
0x17: {  	s4 =	simm.s32 $0x1BF5;
	[smem:$0x3FB6] =	sst s0  }
0x18: {  	s0 =	sld [smem:$0x3F99];
	_ =	swait.ge [sflag:s4], $0x0  }
0x19: {  	s7 =	sld [smem:$0x3F9A]  }
0x1a: {  	s8 =	sadd.s32 $0xFFFFE003, lr  }
0x1b: {  	s9 =	sadd.s32 $0xFFFFFEF7, lr;
	s5 =	simm.s32 $0xFFFFFFFF;
	p2 =	slt.u32 s8, $0xFFFFF086  }
0x1c: {  	p1 =	slt.u32 s9, $0xF7A;
	s5 =	simm.s32 @!p2 $0x0  }
0x1d: {  	s5 =	simm.s32 @p1 $0x1;
	p0 =	seq.s32 s7, s2  }
0x1e: {  	s7 =	smul.u32 @!p0 $0xF7A, s2;
	p2 =	seq.s32 @!p0 s5, $0x0  }
0x1f: {  	s9 =	smul.u32 $0xF7A, s1;
	s8 =	simm.s32 @!p0 $0x1BF5;
	p2 =	por !p2, p0  }
0x20: {  	[sflag:s8] =	ssyncset.s32 @!p0 $0xFFFFF086;
	s6 =	sadd.s32 @!p0 s3, s7;
	s7 =	simm.s32 @!p0 $0x108  }
0x21: {  	s3 =	sadd.s32 s3, s9;
	s6 =	sadd.s32 @!p0 $0x88, s6;
	s7 =	simm.s32 @p2 $0x1082  }
0x22: {  	[simem:s7], [sflag:s8] =	dma.local @!p0 [hbm:s6], $0xF7A  }
0x23: {  	s9 =	sor.u32 $0xD0000000, s2;
	s6 =	simm.s32 $0x108;
	_ =	swait.ge @!p0 [sflag:s8], $0x0  }
0x24: {  	s3 =	sadd.s32 $0x88, s3;
	s6 =	simm.s32 @!p1 $0x1082;
	[sflag:s4] =	ssyncset.s32 $0xFFFFF086  }
0x25: {  	[simem:s6], [sflag:s4] =	dma.local [hbm:s3], $0xF7A  }
0x26: {  	[smem:$0x3F9A] =	sst s1;
	(tag) =	ssettag s2;
	_ =	strace s9  }
0x27: {  	s1 =	sld [smem:$0x3FAA]  }
0x28: {  	s2 =	sld [smem:$0x3FAB]  }
0x29: {  	s4 =	sld [smem:$0x3FAD]  }
0x2a: {  	p0 =	seq.s32 s5, $0x0;
	s5 =	sld [smem:$0x3FAE]  }
0x2b: {  	s6 =	sld [smem:$0x3FAF]  }
0x2c: {  	s7 =	sld [smem:$0x3FB0]  }
0x2d: {  	s3 =	simm.s32 $0x108;
	s8 =	sld [smem:$0x3FB1]  }
0x2e: {  	s3 =	simm.s32 @!p0 $0x1082;
	s9 =	sld [smem:$0x3FB2]  }
0x2f: {  	lr =	sadd.s32 s0, s3;
	s0 =	sld [smem:$0x3FA9]  }
0x30: {  	s3 =	sld [smem:$0x3FAC]  }
0x31: {  	[smem:$0x3FB5] =	sst s10  }
0x32: {  	s10 =	sld [smem:$0x3FB3];
	_ =	sdelay $0x3  }
0x33: {  	p0 =	seq.s32 s10, $0x1;
	s10 =	sld [smem:$0x3FB5];
	_ =	sdelay $0x3  }
0x34: {  	[smem:$0x3FB5] =	sst s10  }
0x35: {  	s10 =	sld [smem:$0x3FB4];
	_ =	sdelay $0x3  }
0x36: {  	p1 =	seq.s32 s10, $0x1;
	s10 =	sld [smem:$0x3FB5];
	_ =	sdelay $0x3  }
0x37: {  	[smem:$0x3FB5] =	sst s10  }
0x38: {  	s10 =	sld [smem:$0x3FB6]  }
0x39: {  	_ = 	snop;
	(pc) =	sbr.ind lr, $3  }
0x3a: {  	_ = 	snop  }
0x3b: {  	_ = 	snop  }
0x3c: {  	p2 =	seq.s32 s10, $0x1;
	s10 =	sld [smem:$0x3FB5]  }
0x3d: {  	_ =	shalt  }
0x3e: {  	_ =	shalt  }
0x3f: {  	_ =	shalt  }
0x40: {  	_ =	shalt  }
0x41: {  	_ =	shalt  }
0x42: {  	_ =	shalt  }
0x43: {  	_ =	shalt  }
0x44: {  	_ =	shalt  }
0x45: {  	_ =	shalt  }
0x46: {  	_ =	shalt  }
0x47: {  	_ =	shalt  }
0x48: {  	_ =	shalt  }
0x49: {  	_ =	shalt  }
0x4a: {  	_ =	shalt  }
0x4b: {  	_ =	shalt  }
0x4c: {  	_ =	shalt  }
0x4d: {  	_ =	shalt  }
0x4e: {  	_ =	shalt  }
0x4f: {  	_ =	shalt  }
0x50: {  	_ =	shalt  }
0x51: {  	_ =	shalt  }
0x52: {  	_ =	shalt  }
0x53: {  	_ =	shalt  }
0x54: {  	_ =	shalt  }
0x55: {  	_ =	shalt  }
0x56: {  	_ =	shalt  }
0x57: {  	_ =	shalt  }
0x58: {  	_ =	shalt  }
0x59: {  	_ =	shalt  }
0x5a: {  	_ =	shalt  }
0x5b: {  	_ =	shalt  }
0x5c: {  	_ =	shalt  }
0x5d: {  	_ =	shalt  }
0x5e: {  	_ =	shalt  }
0x5f: {  	_ =	shalt  }
0x60: {  	_ =	shalt  }
0x61: {  	_ =	shalt  }
0x62: {  	_ =	shalt  }
0x63: {  	_ =	shalt  }
0x64: {  	_ =	shalt  }
0x65: {  	_ =	shalt  }
0x66: {  	_ =	shalt  }
0x67: {  	_ =	shalt  }
0x68: {  	_ =	shalt  }
0x69: {  	_ =	shalt  }
0x6a: {  	_ =	shalt  }
0x6b: {  	_ =	shalt  }
0x6c: {  	_ =	shalt  }
0x6d: {  	_ =	shalt  }
0x6e: {  	_ =	shalt  }
0x6f: {  	_ =	shalt  }
0x70: {  	_ =	shalt  }
0x71: {  	_ =	shalt  }
0x72: {  	_ =	shalt  }
0x73: {  	_ =	shalt  }
0x74: {  	_ =	shalt  }
0x75: {  	_ =	shalt  }
0x76: {  	_ =	shalt  }
0x77: {  	_ =	shalt  }
0x78: {  	_ =	shalt  }
0x79: {  	_ =	shalt  }
0x7a: {  	_ =	shalt  }
0x7b: {  	_ =	shalt  }
0x7c: {  	_ =	shalt  }
0x7d: {  	_ =	shalt  }
0x7e: {  	_ =	shalt  }
0x7f: {  	_ =	shalt  }
0x80: {  	_ =	shalt  }
0x81: {  	_ =	shalt  }
0x82: {  	_ =	shalt  }
0x83: {  	_ =	shalt  }
0x84: {  	_ =	shalt  }
0x85: {  	_ =	shalt  }
0x86: {  	_ =	shalt  }
0x87: {  	_ =	shalt  }
.Lfunc_end0:
.L_simem_size_0:
called_computation_lowered:
.L_overlay_start_0:
0x88: {  	s2 =	sld [smem:$0x3FD9]  }
0x89: {  	s3 =	sld [smem:$0x3FFE];
	_ =	sdelay $0x1  }
0x8a: {  	s1 =	srdreg.scid  }
0x8b: {  	s0 =	sand.u32 $0x1, s1  }
0x8c: {  	s17 =	sshll.u32 s0, $0xA;
	s2 =	sadd.s32 s3, s2  }
0x8d: {  	s2 =	sadd.s32 s2, s17  }
0x8e: {  	[smem:$0x3FC1] =	sst s2  }
0x8f: {  	_ = 	snop  }
0x90: {  	s2 =	sld [smem:$0x3FD0];
	(tm) =	ssettm $0x1  }
0x91: {  	s18 =	sld [smem:$0x3FFB];
	_ =	sdelay $0x3  }
0x92: {  	_ =	strace s18  }
0x93: {  	s3 =	sld [smem:$0x3FFC];
	_ =	sdelay $0x3  }
0x94: {  	_ =	strace s3  }
0x95: {  	s3 =	sld [smem:$0x3FFD];
	_ =	sdelay $0x3  }
0x96: {  	_ =	strace s3  }
0x97: {  	_ =	strace $0x8FFFFFFF  }
0x98: {  	s19 =	sld [smem:$0x3FDB];
	_ =	sdelay $0x1  }
0x99: {  	s4 =	simm.s32 $_scs_section_size  }
0x9a: {  	s5 =	simm.s32 $_size__tile_overlayer_lowered;
	s6 =	simm.s32 $_tile_overlayer_lowered  }
0x9b: {  	s22 =	simm.s32 $0x1BFF;
	s21 =	sshll.u32 s6, $0x1;
	s3 =	sadd.s32 s4, s19  }
0x9c: {  	s7 =	simm.s32 $0x0;
	s20 =	sshll.u32 s5, $0x1;
	s5 =	sadd.s32 s21, s3  }
0x9d: {  	[timem:s7], [sflag:s22] =	dma.local [hbm:s5], s20  }
0x9e: {  	_ =	swait.ge [sflag:s22], s20  }
0x9f: {  	s4 =	ssub.s32 $0x0, s20;
	[sflag:s22] =	ssyncset.done $0x0  }
0xa0: {  	[sflag:s22] =	ssyncadd.s32 s4;
	_ =	sdelay $0x1  }
0xa1: {  	s23 =	simm.s32 $0x1B8B  }
0xa2: {  	_ =	swait.ge [sflag:s23], $0x1  }
0xa3: {  	[sflag:s23] =	ssyncset.done $0x0  }
0xa4: {  	s25 =	simm.s32 $0x1B8E;
	s24 =	sld [smem:$0x3FFE];
	[sflag:s23] =	ssyncadd.s32 $0xFFFFFFFF  }
0xa5: {  	s26 =	simm.s32 $execute0_lowered;
	[smem:$0x3FD2] =	sst s25  }
0xa6: {  	s5 =	sshll.u32 s26, $0x1;
	_ =	strace $0x80000046;
	[dreg:$0x1] =	wrdreg $0xFFFFFFFF  }
0xa7: {  	s28 =	simm.s32 $_size_execute0_lowered;
	s3 =	sadd.s32 s3, s5;
	[dreg:$0x0] =	wrdreg $0x0  }
0xa8: {  	s5 =	sshll.u32 s28, $0x1;
	[dreg:$0x2] =	wrdreg s3  }
0xa9: {  	[dreg:$0x3] =	wrdreg s5  }
0xaa: {  	[dreg:$0x4] =	wrdreg $0xC0  }
0xab: {  	_ =	task [dreg:s7], $0x5FFFF  }
0xac: {  	[dreg:$0x1] =	wrdreg $0xFFFFFFFF  }
0xad: {  	[dreg:$0x0] =	wrdreg $0x60  }
0xae: {  	[dreg:$0x2] =	wrdreg s2  }
0xaf: {  	[dreg:$0x3] =	wrdreg s24  }
0xb0: {  	[dreg:$0x4] =	wrdreg $0x9  }
0xb1: {  	_ =	task.clear_ibuf [dreg:s7], $0x5FFFF;
	_ =	strace $0x90000046  }
0xb2: {  	s29 =	simm.s32 $0x9;
	_ =	strace $0x80000048  }
0xb3: {  	_ =	swait.ge [sflag:s29], $0x1  }
0xb4: {  	[sflag:s29] =	ssyncadd.s32 $0xFFFFFFFF  }
0xb5: {  	_ =	strace $0x90000048  }
0xb6: {  	_ =	sfence  }
0xb7: {  	s30 =	sld [smem:$0x0];
	_ =	sdelay $0x2  }
0xb8: {  	s31 =	sshll.u32 s1, $0xD;
	s1 =	sshrl.u32 s1, $0x2  }
0xb9: {  	s3 =	sand.u32 $0x4000, s31;
	s1 =	sadd.s32 s1, s30  }
0xba: {  	s0 =	sor.u32 s3, s0;
	s1 =	sshll.u32 s1, $0x11  }
0xbb: {  	s0 =	sor.u32 s1, s0  }
0xbc: {  	s0 =	sadd.s32 $0x8F2B, s0  }
0xbd: {  	[sflag:s0] =	ssyncadd.remote.s32 $0x1  }
0xbe: {  	_ =	sfence.sel $0xFFFF  }
0xbf: {  	[dreg:$0x0] =	wrdreg $0xFFFFFFFF;
	(pc) =	sbr.abs _section_cstart, $3  }
0xc0: {  	[dreg:$0x1] =	wrdreg $0xFFFFFFFF  }
0xc1: {  	_ =	task.clear_ibuf [dreg:s7], $0x2FFFF;
	_ =	strace $0x9FFFFFFF  }
0xc2: {  	(tm) =	ssettm $0x7FFFFFFF  }
0xc3: {  	_ =	shalt  }
tec
execute0_lowered:
.L_overlay_start_1:
0x0: {  	(tag) =	ssettag $0x1  }
0x1: {  	s1 =	rddreg [dreg:$0x0]  }
0x2: {  	s6 =	rddreg [dreg:$0x1]  }
0x3: {  	s0 =	rddreg [dreg:$0x2]  }
0x4: {  	s3 =	simm.s32 $0x0;
	s4 =	srdreg.scid;
	s2 =	stileid.u32  }
0x5: {  	s11 =	simm.s32 $0xC8;
	s12 =	simm.s32 $0x200;
	s13 =	simm.s32 $0x6600  }
0x6: {  	s14 =	simm.s32 $0x1;
	s15 =	simm.s32 $0x2;
	s16 =	simm.s32 $0x0  }
0x7: {  	[smem:$0x7FF] =	sst s3;
	s7 =	sand.u32 $0x1, s4;
	s4 =	sadd.s32 $0x1A00, s6  }
0x8: {  	s9 =	sshll.u32 s2, $0x1;
	s5 =	sadd.s32 $0x4A00, s6;
	s8 =	ssub.s32 $0x2, s7  }
0x9: {  	s6 =	sadd.s32 $0x7A00, s6;
	_ =	strace $0x80000047;
	s10 =	sshrl.u32 s8, $0x1  }
0xa: {  	s7 =	sor.u32 s7, s9;
	s9 =	simm.s32 $0x3;
	s8 =	ssub.s32 s8, s10  }
0xb: {  	s7 =	smul.u32 $0xBB8, s7;
	s10 =	simm.s32 $0x100;
	s8 =	smax.u32 s8, $0x1  }
.LBB2_1:
0xc: {  	s17 =	simm.s32 $0x0  }
.LBB2_2:
0xd: {  	s18 =	smul.u32 $0xC8, s17;
	_ =	sdelay $0x1  }
0xe: {  	s18 =	sadd.s32 s7, s18  }
0xf: {  	s19 =	sshrl.u32 s18, $0x3  }
0x10: {  	s20 =	sadd.s32 s4, s19  }
0x11: {  	[tilespmem:s3], [sflag:$0x3] =	stream.linear.gather [hbm4b:s20+s3], $0xC8, $0x38;
	[tilespmem:$0xCA00] =	vst v63  }
0x12: {  	_ =	swait.ge [sflag:s9], $0xC8  }
0x13: {  	[sflag:s9] =	ssyncset.done $0x0  }
0x14: {  	s19 =	sadd.s32 s5, s19;
	[sflag:s9] =	ssyncadd.s32 $0xFFFFFF38  }
0x15: {  	[tilespmem:s10], [sflag:$0x3] =	stream.linear.gather [hbm4b:s19+s3], $0xC8, $0x38;
	[tilespmem:$0xCA00] =	vst v63  }
0x16: {  	_ =	swait.ge [sflag:s9], $0xC8  }
0x17: {  	[sflag:s9] =	ssyncset.done $0x0  }
0x18: {  	[sflag:s9] =	ssyncadd.s32 $0xFFFFFF38  }
0x19: {  	[tilespmem:s12], [sflag:$0x1] =	stream.indirect.gather [hbm4b:s1+s11], $0x80, s3, s11, $0xb8;
	[tilespmem:$0xCA00] =	vst v63  }
0x1a: {  	_ = 	snop  }
0x1b: {  	[tilespmem:s13], [sflag:$0x2] =	stream.indirect.gather [hbm4b:s1+s11], $0x80, s10, s11, $0xb8;
	[tilespmem:$0xCA00] =	vst v63  }
0x1c: {  	_ =	swait.ge [sflag:s14], $0x6400  }
0x1d: {  	[sflag:s14] =	ssyncset.done $0x0  }
0x1e: {  	[sflag:s14] =	ssyncadd.s32 $0xFFFF9C00  }
0x1f: {  	_ =	swait.ge [sflag:s15], $0x6400  }
0x20: {  	[sflag:s15] =	ssyncset.done $0x0  }
0x21: {  	s19 =	simm.s32 $0x20;
	[sflag:s15] =	ssyncadd.s32 $0xFFFF9C00  }
0x22: {  	s20 =	simm.s32 $0x280;
	v0 =	vld [tilespmem:s19+$0x6600]  }
.LBB2_3:
0x23: {  	p0 =	sne.s32 s20, $0x18E80;
	v1 =	vld [tilespmem:s19+$0x200];
	_ =	sdelay $0x2  }
.Ltmp0:
0x24: {  	(pc) =	sbr.rel @p0 .LBB2_3-.Ltmp0, $4  }
0x25: {  	_ = 	snop  }
0x26: {  	v1 =	vsub.f32 v1, v0  }
0x27: {  	s21 =	sshra.s32 s20, $0x2  }
0x28: {  	s20 =	sadd.s32 $0x200, s20;
	v0 =	vld [tilespmem:s21+$0x6600];
	[tilespmem:s19+$0x200] =	vst v1;
	s19 =	smov.u32 s21  }
0x29: {  	v1 =	vld [tilespmem:s19+$0x200];
	_ =	sdelay $0x4  }
0x2a: {  	s17 =	sadd.s32 $0x1, s17;
	v0 =	vsub.f32 v1, v0  }
0x2b: {  	s18 =	sshll.u32 s18, $0x4;
	p0 =	sne.s32 s17, $0xF  }
.Ltmp1:
0x2c: {  	s18 =	sadd.s32 s6, s18;
	[tilespmem:s19+$0x200] =	vst v0;
	(pc) =	sbr.rel @p0 .LBB2_2-.Ltmp1, $4  }
0x2d: {  	[hbm4b:s18+s3] =	stream.linear.scatter [tilespmem:s12], [sflag:$0x3], $0x6400, $0x38;
	[tilespmem:$0xCA00] =	vst v63  }
0x2e: {  	_ =	swait.ge [sflag:s9], $0x6400  }
0x2f: {  	[sflag:s9] =	ssyncset.done $0x0  }
0x30: {  	[sflag:s9] =	ssyncadd.s32 $0xFFFF9C00  }
0x31: {  	s16 =	sadd.s32 $0x1, s16  }
0x32: {  	p0 =	sne.s32 s16, s8  }
.Ltmp2:
0x33: {  	_ = 	snop;
	(pc) =	sbr.rel @p0 .LBB2_1-.Ltmp2, $1  }
0x34: {  	_ =	sdelay $0x3  }
0x35: {  	_ =	sfence.sel $0x180000  }
0x36: {  	[bflag:$0x0] =	sbarrier.arrive $0xFFFF  }
0x37: {  	p0 =	sne.s32 s2, $0x0;
	_ =	strace $0x90000047  }
0x38: {  	s0 =	sadd.s32 @!p0 $0x100000, s0;
	[bflag:$0x2] =	sbarrier.arrive $0xFFFF  }
0x39: {  	[sflag:s0] =	ssyncadd.tile.s32 @!p0 $0x1;
	_ =	shalt  }
.Lfunc_end2:
_tile_overlayer_lowered:
.L_overlay_start_2:
0x3a: {  	(tag) =	ssettag $0x2  }
0x3b: {  	s0 =	rddreg [dreg:$0x0];
	s2 =	stileid.u32  }
0x3c: {  	s1 =	rddreg [dreg:$0x1];
	p0 =	sne.s32 s2, $0x0  }
0x3d: {  	s3 =	rddreg [dreg:$0x2];
	[bflag:$0x3] =	sbarrier.arrive $0xFFFF;
	s2 =	simm.s32 @!p0 $0x1C03  }
0x3e: {  	[timem:s3], [sflag:s2] =	dma.local @!p0 [hbm:s0], s1  }
0x3f: {  	s0 =	simm.s32 @!p0 $0x3  }
0x40: {  	_ =	swait.ge @!p0 [sflag:s0], s1  }
0x41: {  	s1 =	ssub.s32 @!p0 $0x0, s1;
	[sflag:s0] =	ssyncset.done @!p0 $0x0  }
0x42: {  	[sflag:s0] =	ssyncadd.s32 @!p0 s1  }
0x43: {  	[bflag:$0x3] =	sbarrier.arrive $0xFFFF  }
0x44: {  	_ =	shalt  }

// kernel: kernel.13.cloned.1.call-start
scs
__scs_entry_jumppad:
0x0: {  	(pc) =	sbr.rel $0x88, $3  }
0x1: {  	(tag) =	ssettag $0x0;
	lr =	simm.s32 $0x1  }
0x2: {  	[smem:$0x3F9A] =	sst lr;
	_ =	strace $0xD0000000  }
0x3: {  	_ = 	snop  }
0x4: {  	_ = 	snop  }
0x5: {  	_ = 	snop  }
0x6: {  	_ = 	snop  }
0x7: {  	_ = 	snop  }
__scs_overlays_trampoline_lowered:
0x8: {  	[smem:$0x3FA9] =	sst s0  }
0x9: {  	[smem:$0x3FAA] =	sst s1  }
0xa: {  	[smem:$0x3FAB] =	sst s2  }
0xb: {  	[smem:$0x3FAC] =	sst s3  }
0xc: {  	[smem:$0x3FAD] =	sst s4  }
0xd: {  	[smem:$0x3FAE] =	sst s5  }
0xe: {  	[smem:$0x3FAF] =	sst s6  }
0xf: {  	[smem:$0x3FB0] =	sst s7  }
0x10: {  	[smem:$0x3FB1] =	sst s8  }
0x11: {  	[smem:$0x3FB2] =	sst s9;
	s0 =	simm.s32 @!p0 $0x0  }
0x12: {  	s1 =	sld [smem:$0x3F98];
	s0 =	simm.s32 @p0 $0x1  }
0x13: {  	[smem:$0x3FB3] =	sst s0;
	s0 =	simm.s32 @!p1 $0x0  }
0x14: {  	s2 =	sld [smem:$0x3F97];
	s0 =	simm.s32 @p1 $0x1  }
0x15: {  	[smem:$0x3FB4] =	sst s0;
	s0 =	simm.s32 @!p2 $0x0  }
0x16: {  	s3 =	sld [smem:$0x3FDB];
	s0 =	simm.s32 @p2 $0x1  }
0x17: {  	s4 =	simm.s32 $0x1BF5;
	[smem:$0x3FB6] =	sst s0  }
0x18: {  	s0 =	sld [smem:$0x3F99];
	_ =	swait.ge [sflag:s4], $0x0  }
0x19: {  	s7 =	sld [smem:$0x3F9A]  }
0x1a: {  	s8 =	sadd.s32 $0xFFFFE003, lr  }
0x1b: {  	s9 =	sadd.s32 $0xFFFFFEF7, lr;
	s5 =	simm.s32 $0xFFFFFFFF;
	p2 =	slt.u32 s8, $0xFFFFF086  }
0x1c: {  	p1 =	slt.u32 s9, $0xF7A;
	s5 =	simm.s32 @!p2 $0x0  }
0x1d: {  	s5 =	simm.s32 @p1 $0x1;
	p0 =	seq.s32 s7, s2  }
0x1e: {  	s7 =	smul.u32 @!p0 $0xF7A, s2;
	p2 =	seq.s32 @!p0 s5, $0x0  }
0x1f: {  	s9 =	smul.u32 $0xF7A, s1;
	s8 =	simm.s32 @!p0 $0x1BF5;
	p2 =	por !p2, p0  }
0x20: {  	[sflag:s8] =	ssyncset.s32 @!p0 $0xFFFFF086;
	s6 =	sadd.s32 @!p0 s3, s7;
	s7 =	simm.s32 @!p0 $0x108  }
0x21: {  	s3 =	sadd.s32 s3, s9;
	s6 =	sadd.s32 @!p0 $0x88, s6;
	s7 =	simm.s32 @p2 $0x1082  }
0x22: {  	[simem:s7], [sflag:s8] =	dma.local @!p0 [hbm:s6], $0xF7A  }
0x23: {  	s9 =	sor.u32 $0xD0000000, s2;
	s6 =	simm.s32 $0x108;
	_ =	swait.ge @!p0 [sflag:s8], $0x0  }
0x24: {  	s3 =	sadd.s32 $0x88, s3;
	s6 =	simm.s32 @!p1 $0x1082;
	[sflag:s4] =	ssyncset.s32 $0xFFFFF086  }
0x25: {  	[simem:s6], [sflag:s4] =	dma.local [hbm:s3], $0xF7A  }
0x26: {  	[smem:$0x3F9A] =	sst s1;
	(tag) =	ssettag s2;
	_ =	strace s9  }
0x27: {  	s1 =	sld [smem:$0x3FAA]  }
0x28: {  	s2 =	sld [smem:$0x3FAB]  }
0x29: {  	s4 =	sld [smem:$0x3FAD]  }
0x2a: {  	p0 =	seq.s32 s5, $0x0;
	s5 =	sld [smem:$0x3FAE]  }
0x2b: {  	s6 =	sld [smem:$0x3FAF]  }
0x2c: {  	s7 =	sld [smem:$0x3FB0]  }
0x2d: {  	s3 =	simm.s32 $0x108;
	s8 =	sld [smem:$0x3FB1]  }
0x2e: {  	s3 =	simm.s32 @!p0 $0x1082;
	s9 =	sld [smem:$0x3FB2]  }
0x2f: {  	lr =	sadd.s32 s0, s3;
	s0 =	sld [smem:$0x3FA9]  }
0x30: {  	s3 =	sld [smem:$0x3FAC]  }
0x31: {  	[smem:$0x3FB5] =	sst s10  }
0x32: {  	s10 =	sld [smem:$0x3FB3];
	_ =	sdelay $0x3  }
0x33: {  	p0 =	seq.s32 s10, $0x1;
	s10 =	sld [smem:$0x3FB5];
	_ =	sdelay $0x3  }
0x34: {  	[smem:$0x3FB5] =	sst s10  }
0x35: {  	s10 =	sld [smem:$0x3FB4];
	_ =	sdelay $0x3  }
0x36: {  	p1 =	seq.s32 s10, $0x1;
	s10 =	sld [smem:$0x3FB5];
	_ =	sdelay $0x3  }
0x37: {  	[smem:$0x3FB5] =	sst s10  }
0x38: {  	s10 =	sld [smem:$0x3FB6]  }
0x39: {  	_ = 	snop;
	(pc) =	sbr.ind lr, $3  }
0x3a: {  	_ = 	snop  }
0x3b: {  	_ = 	snop  }
0x3c: {  	p2 =	seq.s32 s10, $0x1;
	s10 =	sld [smem:$0x3FB5]  }
0x3d: {  	_ =	shalt  }
0x3e: {  	_ =	shalt  }
0x3f: {  	_ =	shalt  }
0x40: {  	_ =	shalt  }
0x41: {  	_ =	shalt  }
0x42: {  	_ =	shalt  }
0x43: {  	_ =	shalt  }
0x44: {  	_ =	shalt  }
0x45: {  	_ =	shalt  }
0x46: {  	_ =	shalt  }
0x47: {  	_ =	shalt  }
0x48: {  	_ =	shalt  }
0x49: {  	_ =	shalt  }
0x4a: {  	_ =	shalt  }
0x4b: {  	_ =	shalt  }
0x4c: {  	_ =	shalt  }
0x4d: {  	_ =	shalt  }
0x4e: {  	_ =	shalt  }
0x4f: {  	_ =	shalt  }
0x50: {  	_ =	shalt  }
0x51: {  	_ =	shalt  }
0x52: {  	_ =	shalt  }
0x53: {  	_ =	shalt  }
0x54: {  	_ =	shalt  }
0x55: {  	_ =	shalt  }
0x56: {  	_ =	shalt  }
0x57: {  	_ =	shalt  }
0x58: {  	_ =	shalt  }
0x59: {  	_ =	shalt  }
0x5a: {  	_ =	shalt  }
0x5b: {  	_ =	shalt  }
0x5c: {  	_ =	shalt  }
0x5d: {  	_ =	shalt  }
0x5e: {  	_ =	shalt  }
0x5f: {  	_ =	shalt  }
0x60: {  	_ =	shalt  }
0x61: {  	_ =	shalt  }
0x62: {  	_ =	shalt  }
0x63: {  	_ =	shalt  }
0x64: {  	_ =	shalt  }
0x65: {  	_ =	shalt  }
0x66: {  	_ =	shalt  }
0x67: {  	_ =	shalt  }
0x68: {  	_ =	shalt  }
0x69: {  	_ =	shalt  }
0x6a: {  	_ =	shalt  }
0x6b: {  	_ =	shalt  }
0x6c: {  	_ =	shalt  }
0x6d: {  	_ =	shalt  }
0x6e: {  	_ =	shalt  }
0x6f: {  	_ =	shalt  }
0x70: {  	_ =	shalt  }
0x71: {  	_ =	shalt  }
0x72: {  	_ =	shalt  }
0x73: {  	_ =	shalt  }
0x74: {  	_ =	shalt  }
0x75: {  	_ =	shalt  }
0x76: {  	_ =	shalt  }
0x77: {  	_ =	shalt  }
0x78: {  	_ =	shalt  }
0x79: {  	_ =	shalt  }
0x7a: {  	_ =	shalt  }
0x7b: {  	_ =	shalt  }
0x7c: {  	_ =	shalt  }
0x7d: {  	_ =	shalt  }
0x7e: {  	_ =	shalt  }
0x7f: {  	_ =	shalt  }
0x80: {  	_ =	shalt  }
0x81: {  	_ =	shalt  }
0x82: {  	_ =	shalt  }
0x83: {  	_ =	shalt  }
0x84: {  	_ =	shalt  }
0x85: {  	_ =	shalt  }
0x86: {  	_ =	shalt  }
0x87: {  	_ =	shalt  }
.Lfunc_end0:
.L_simem_size_0:
called_computation.1_lowered:
.L_overlay_start_0:
0x88: {  	s2 =	sld [smem:$0x3FD9]  }
0x89: {  	s3 =	sld [smem:$0x3FFE];
	_ =	sdelay $0x1  }
0x8a: {  	s1 =	srdreg.scid  }
0x8b: {  	s0 =	sand.u32 $0x1, s1  }
0x8c: {  	s17 =	sshll.u32 s0, $0xA;
	s2 =	sadd.s32 s3, s2  }
0x8d: {  	s2 =	sadd.s32 s2, s17  }
0x8e: {  	[smem:$0x3FC1] =	sst s2  }
0x8f: {  	_ = 	snop  }
0x90: {  	(tm) =	ssettm $0x1  }
0x91: {  	s18 =	sld [smem:$0x3FFB];
	_ =	sdelay $0x3  }
0x92: {  	_ =	strace s18  }
0x93: {  	s2 =	sld [smem:$0x3FFC];
	_ =	sdelay $0x3  }
0x94: {  	_ =	strace s2  }
0x95: {  	s2 =	sld [smem:$0x3FFD];
	_ =	sdelay $0x3  }
0x96: {  	_ =	strace s2  }
0x97: {  	_ =	strace $0x8FFFFFFF  }
0x98: {  	s19 =	sld [smem:$0x3FDB];
	_ =	sdelay $0x1  }
0x99: {  	s20 =	simm.s32 $_scs_section_size  }
0x9a: {  	s4 =	simm.s32 $_size__tile_overlayer_lowered;
	s5 =	simm.s32 $_tile_overlayer_lowered  }
0x9b: {  	s6 =	simm.s32 $0x1BFF;
	s21 =	sshll.u32 s5, $0x1;
	s3 =	sadd.s32 s20, s19  }
0x9c: {  	s22 =	simm.s32 $0x0;
	s4 =	sshll.u32 s4, $0x1;
	s5 =	sadd.s32 s21, s3  }
0x9d: {  	[timem:s22], [sflag:s6] =	dma.local [hbm:s5], s4  }
0x9e: {  	_ =	swait.ge [sflag:s6], s4  }
0x9f: {  	s4 =	ssub.s32 $0x0, s4;
	[sflag:s6] =	ssyncset.done $0x0  }
0xa0: {  	[sflag:s6] =	ssyncadd.s32 s4;
	_ =	sdelay $0x1  }
0xa1: {  	s23 =	simm.s32 $0x1B8B  }
0xa2: {  	_ =	swait.ge [sflag:s23], $0x1  }
0xa3: {  	[sflag:s23] =	ssyncset.done $0x0  }
0xa4: {  	[sflag:s23] =	ssyncadd.s32 $0xFFFFFFFF  }
0xa5: {  	s4 =	sld [smem:$0x0]  }
0xa6: {  	s5 =	sand.u32 $0xFFFFFFFE, s1  }
0xa7: {  	p0 =	sne.s32 s1, s5  }
0xa8: {  	s5 =	sshll.u32 @p0 s5, $0xE  }
0xa9: {  	s5 =	sadd.s32 @p0 $0x11B8D, s5;
	s6 =	sshll.u32 @p0 s4, $0x11  }
0xaa: {  	s5 =	sor.u32 @p0 s6, s5  }
0xab: {  	[sflag:s5] =	ssyncadd.remote.s32 @p0 $0x1;
	_ =	sdelay $0x1  }
0xac: {  	s5 =	simm.s32 @p0 $0x1B8D  }
0xad: {  	_ =	swait.eq @p0 [sflag:s5], $0x1  }
0xae: {  	[sflag:s5] =	ssyncadd.s32 @p0 $0xFFFFFFFF  }
0xaf: {  	s6 =	sshll.u32 @!p0 s1, $0xE  }
0xb0: {  	s6 =	sor.u32 @!p0 $0x4000, s6;
	s5 =	simm.s32 @!p0 $0x1B8D  }
0xb1: {  	s4 =	sshll.u32 @!p0 s4, $0x11;
	s6 =	sadd.s32 @!p0 $0x11B8D, s6;
	_ =	swait.eq @!p0 [sflag:s5], $0x1  }
0xb2: {  	s4 =	sor.u32 @!p0 s4, s6;
	[sflag:s5] =	ssyncadd.s32 @!p0 $0xFFFFFFFF  }
0xb3: {  	s25 =	simm.s32 $0x1B8E;
	s24 =	sld [smem:$0x3FFE];
	[sflag:s4] =	ssyncadd.remote.s32 @!p0 $0x1  }
0xb4: {  	s26 =	simm.s32 $execute0_lowered;
	[smem:$0x3FD2] =	sst s25  }
0xb5: {  	s5 =	sshll.u32 s26, $0x1;
	_ =	strace $0x8000004C;
	[dreg:$0x1] =	wrdreg $0xFFFFFFFF  }
0xb6: {  	s28 =	simm.s32 $_size_execute0_lowered;
	s3 =	sadd.s32 s3, s5;
	[dreg:$0x0] =	wrdreg $0x0  }
0xb7: {  	s5 =	sshll.u32 s28, $0x1;
	[dreg:$0x2] =	wrdreg s3  }
0xb8: {  	[dreg:$0x3] =	wrdreg s5  }
0xb9: {  	[dreg:$0x4] =	wrdreg $0xC0  }
0xba: {  	_ =	task [dreg:s22], $0x5FFFF  }
0xbb: {  	[dreg:$0x1] =	wrdreg $0xFFFFFFFF  }
0xbc: {  	[dreg:$0x0] =	wrdreg $0x60  }
0xbd: {  	[dreg:$0x2] =	wrdreg s24  }
0xbe: {  	[dreg:$0x3] =	wrdreg $0x79000  }
0xbf: {  	[dreg:$0x4] =	wrdreg $0x9  }
0xc0: {  	_ =	task.clear_ibuf [dreg:s22], $0x5FFFF;
	_ =	strace $0x9000004C  }
0xc1: {  	s29 =	simm.s32 $0x9;
	_ =	strace $0x8000004E  }
0xc2: {  	_ =	swait.ge [sflag:s29], $0x1  }
0xc3: {  	[sflag:s29] =	ssyncadd.s32 $0xFFFFFFFF  }
0xc4: {  	_ =	strace $0x9000004E  }
0xc5: {  	_ =	sfence  }
0xc6: {  	s30 =	sld [smem:$0x0];
	_ =	sdelay $0x2  }
0xc7: {  	s31 =	sshll.u32 s1, $0xD;
	s1 =	sshrl.u32 s1, $0x2  }
0xc8: {  	s4 =	sand.u32 $0x4000, s31;
	s1 =	sadd.s32 s1, s30  }
0xc9: {  	s0 =	sor.u32 s4, s0;
	s1 =	sshll.u32 s1, $0x11  }
0xca: {  	s0 =	sor.u32 s1, s0  }
0xcb: {  	s0 =	sadd.s32 $0x8F2B, s0  }
0xcc: {  	[sflag:s0] =	ssyncadd.remote.s32 $0x1  }
0xcd: {  	_ =	sfence.sel $0xFFFF  }
0xce: {  	[dreg:$0x0] =	wrdreg $0xFFFFFFFF;
	(pc) =	sbr.abs _section_cstart, $3  }
0xcf: {  	[dreg:$0x1] =	wrdreg $0xFFFFFFFF  }
0xd0: {  	_ =	task.clear_ibuf [dreg:s22], $0x2FFFF;
	_ =	strace $0x9FFFFFFF  }
0xd1: {  	(tm) =	ssettm $0x7FFFFFFF  }
tec
execute0_lowered:
.L_overlay_start_1:
0x0: {  	(tag) =	ssettag $0x1  }
0x1: {  	s0 =	rddreg [dreg:$0x0]  }
0x2: {  	s2 =	rddreg [dreg:$0x1]  }
0x3: {  	s23 =	stileid.u32;
	s1 =	srdreg.scid  }
0x4: {  	s3 =	simm.s32 $0x0;
	s28 =	simm.s32 $0x2;
	s4 =	smul.u32 $0x2EE, s23  }
0x5: {  	s29 =	simm.s32 $0x100;
	s30 =	simm.s32 $0xC8;
	s7 =	smul.u32 $0x14000, s23  }
0x6: {  	s31 =	simm.s32 $0x1;
	s1 =	sand.u32 $0x1, s1;
	s18 =	smul.u32 $0x50000, s23  }
0x7: {  	[smem:$0x7FF] =	sst s3;
	s8 =	sadd.s32 $0x7A00, s0;
	s26 =	smul.u32 $0x17700, s23  }
0x8: {  	s5 =	smul.u32 $0x138800, s1;
	_ =	strace $0x8000004D;
	s6 =	ssub.s32 $0x2, s1  }
0x9: {  	p0 =	seq.s32 s1, $0x1;
	s4 =	sadd.s32 s4, s0;
	s9 =	sshrl.u32 s6, $0x1  }
0xa: {  	s20 =	sshrl.u32 s18, $0x2;
	s7 =	sadd.s32 s7, s5;
	s5 =	sshrl.u32 s5, $0x3  }
0xb: {  	s6 =	ssub.s32 s6, s9;
	s19 =	sshrl.u32 s7, $0x3;
	s21 =	sadd.s32 s8, s5  }
0xc: {  	s5 =	sadd.s32 s20, s2;
	s7 =	sadd.s32 $0x12C000, s2;
	s24 =	smax.u32 s6, $0x1  }
0xd: {  	s1 =	sadd.s32 s8, s19;
	s22 =	sadd.s32 $0x25800, s21;
	[dreg:$0x5] =	wrdreg s24  }
0xe: {  	s25 =	sadd.s32 $0x1400, s5;
	s10 =	sadd.s32 $0x2800, s5;
	s11 =	sadd.s32 $0x3C00, s5  }
0xf: {  	s12 =	sadd.s32 $0x5000, s5;
	s13 =	sadd.s32 $0x8C00, s5;
	s14 =	sadd.s32 $0xA000, s5  }
0x10: {  	s15 =	sadd.s32 $0xB400, s5;
	s16 =	sadd.s32 $0xC800, s5;
	s17 =	sadd.s32 $0xDC00, s5  }
0x11: {  	s18 =	sadd.s32 $0xF000, s5;
	s19 =	sadd.s32 $0x10400, s5;
	[dreg:$0x3] =	wrdreg s1  }
0x12: {  	s20 =	sadd.s32 $0x11800, s5;
	s21 =	sadd.s32 $0x12C00, s5;
	[dreg:$0x4] =	wrdreg s22  }
0x13: {  	s24 =	sadd.s32 $0x6400, s5;
	[dreg:$0x6] =	wrdreg s25;
	s1 =	simm.s32 $0x3F3A00  }
0x14: {  	s25 =	sadd.s32 $0x4A00, s4;
	s1 =	simm.s32 @!p0 $0x27CA00;
	p0 =	seq.s32 s23, $0xF  }
0x15: {  	s23 =	sadd.s32 $0x7800, s5;
	s0 =	sadd.s32 s1, s0;
	s1 =	sadd.s32 $0x12D400, s2  }
0x16: {  	s23 =	smov.u32 @p0 s7;
	s22 =	sadd.s32 s26, s0;
	s0 =	sadd.s32 $0x12E800, s2  }
0x17: {  	s13 =	smov.u32 @p0 s1;
	s1 =	sadd.s32 $0x12FC00, s2;
	s26 =	simm.s32 $0x6500  }
0x18: {  	s14 =	smov.u32 @p0 s0;
	s0 =	sadd.s32 $0x131000, s2;
	s15 =	smov.u32 @p0 s1  }
0x19: {  	s1 =	sadd.s32 $0x132400, s2;
	s16 =	smov.u32 @p0 s0;
	s0 =	sadd.s32 $0x133800, s2  }
0x1a: {  	s17 =	smov.u32 @p0 s1;
	s1 =	sadd.s32 $0x134C00, s2;
	s18 =	smov.u32 @p0 s0  }
0x1b: {  	s0 =	sadd.s32 $0x136000, s2;
	s19 =	smov.u32 @p0 s1;
	s1 =	sadd.s32 $0x137400, s2  }
0x1c: {  	v0 =	vimm.f32 $0.0e+00;
	s20 =	smov.u32 @p0 s0;
	s21 =	smov.u32 @p0 s1;
	s0 =	simm.s32 $0x0  }
.LBB2_1:
0x1d: {  	s1 =	simm.s32 $0x70;
	s4 =	simm.s32 $0x3C0  }
.LBB2_2:
0x1e: {  	p1 =	sne.s32 s4, $0x4FC0;
	[tilespmem:s1+$0x6500] =	vst v0  }
0x1f: {  	[tilespmem:s1+$0x6490] =	vst v0  }
0x20: {  	[tilespmem:s1+$0x64A0] =	vst v0  }
.Ltmp0:
0x21: {  	[tilespmem:s1+$0x64B0] =	vst v0;
	(pc) =	sbr.rel @p1 .LBB2_2-.Ltmp0, $4  }
0x22: {  	[tilespmem:s1+$0x64C0] =	vst v0  }
0x23: {  	[tilespmem:s1+$0x64D0] =	vst v0  }
0x24: {  	[tilespmem:s1+$0x64E0] =	vst v0  }
0x25: {  	[tilespmem:s1+$0x64F0] =	vst v0;
	s1 =	sshra.s32 s4, $0x2;
	s4 =	sadd.s32 $0x200, s4  }
0x26: {  	[tilespmem:s1+$0x6500] =	vst v0  }
0x27: {  	[tilespmem:s1+$0x6490] =	vst v0  }
0x28: {  	[tilespmem:s1+$0x64A0] =	vst v0  }
0x29: {  	[tilespmem:s1+$0x64B0] =	vst v0  }
0x2a: {  	[tilespmem:s1+$0x64C0] =	vst v0  }
0x2b: {  	[tilespmem:s1+$0x64D0] =	vst v0  }
0x2c: {  	[tilespmem:s1+$0x64E0] =	vst v0  }
0x2d: {  	[tilespmem:s1+$0x64F0] =	vst v0;
	s1 =	simm.s32 @!p0 $0x6500;
	s4 =	simm.s32 @!p0 $0x2  }
0x2e: {  	[spmem:s5] =	stream.linear.scatter @!p0 [tilespmem:s1], [sflag:$0x2], $0x1400, $0x38;
	[tilespmem:$0x1B180] =	vst v63  }
0x2f: {  	_ =	swait.ge @!p0 [sflag:s4], $0x1400  }
0x30: {  	[sflag:s4] =	ssyncset.done @!p0 $0x0  }
0x31: {  	s6 =	rddreg [dreg:$0x6];
	[sflag:s4] =	ssyncadd.s32 @!p0 $0xFFFFEC00  }
0x32: {  	[spmem:s6] =	stream.linear.scatter @!p0 [tilespmem:s1], [sflag:$0x2], $0x1400, $0x38;
	[tilespmem:$0x1B180] =	vst v63  }
0x33: {  	_ =	swait.ge @!p0 [sflag:s4], $0x1400  }
0x34: {  	[sflag:s4] =	ssyncset.done @!p0 $0x0  }
0x35: {  	[sflag:s4] =	ssyncadd.s32 @!p0 $0xFFFFEC00  }
0x36: {  	[spmem:s10] =	stream.linear.scatter @!p0 [tilespmem:s1], [sflag:$0x2], $0x1400, $0x38;
	[tilespmem:$0x1B180] =	vst v63  }
0x37: {  	_ =	swait.ge @!p0 [sflag:s4], $0x1400  }
0x38: {  	[sflag:s4] =	ssyncset.done @!p0 $0x0  }
0x39: {  	[sflag:s4] =	ssyncadd.s32 @!p0 $0xFFFFEC00  }
0x3a: {  	[spmem:s11] =	stream.linear.scatter @!p0 [tilespmem:s1], [sflag:$0x2], $0x1400, $0x38;
	[tilespmem:$0x1B180] =	vst v63  }
0x3b: {  	_ =	swait.ge @!p0 [sflag:s4], $0x1400  }
0x3c: {  	[sflag:s4] =	ssyncset.done @!p0 $0x0  }
0x3d: {  	[sflag:s4] =	ssyncadd.s32 @!p0 $0xFFFFEC00  }
0x3e: {  	[spmem:s12] =	stream.linear.scatter @!p0 [tilespmem:s1], [sflag:$0x2], $0x1400, $0x38;
	[tilespmem:$0x1B180] =	vst v63  }
0x3f: {  	_ =	swait.ge @!p0 [sflag:s4], $0x1400  }
0x40: {  	[sflag:s4] =	ssyncset.done @!p0 $0x0  }
0x41: {  	[sflag:s4] =	ssyncadd.s32 @!p0 $0xFFFFEC00  }
0x42: {  	[spmem:s24] =	stream.linear.scatter @!p0 [tilespmem:s1], [sflag:$0x2], $0x1400, $0x38;
	[tilespmem:$0x1B180] =	vst v63  }
0x43: {  	_ =	swait.ge @!p0 [sflag:s4], $0x1400  }
0x44: {  	[sflag:s4] =	ssyncset.done @!p0 $0x0  }
0x45: {  	[sflag:s4] =	ssyncadd.s32 @!p0 $0xFFFFEC00  }
0x46: {  	[spmem:s23] =	stream.linear.scatter [tilespmem:s26], [sflag:$0x2], $0x1400, $0x38;
	[tilespmem:$0x1B180] =	vst v63  }
0x47: {  	_ =	swait.ge [sflag:s28], $0x1400  }
0x48: {  	[sflag:s28] =	ssyncset.done $0x0  }
0x49: {  	[sflag:s28] =	ssyncadd.s32 $0xFFFFEC00  }
0x4a: {  	[spmem:s13] =	stream.linear.scatter [tilespmem:s26], [sflag:$0x2], $0x1400, $0x38;
	[tilespmem:$0x1B180] =	vst v63  }
0x4b: {  	_ =	swait.ge [sflag:s28], $0x1400  }
0x4c: {  	[sflag:s28] =	ssyncset.done $0x0  }
0x4d: {  	[sflag:s28] =	ssyncadd.s32 $0xFFFFEC00  }
0x4e: {  	[spmem:s14] =	stream.linear.scatter [tilespmem:s26], [sflag:$0x2], $0x1400, $0x38;
	[tilespmem:$0x1B180] =	vst v63  }
0x4f: {  	_ =	swait.ge [sflag:s28], $0x1400  }
0x50: {  	[sflag:s28] =	ssyncset.done $0x0  }
0x51: {  	[sflag:s28] =	ssyncadd.s32 $0xFFFFEC00  }
0x52: {  	[spmem:s15] =	stream.linear.scatter [tilespmem:s26], [sflag:$0x2], $0x1400, $0x38;
	[tilespmem:$0x1B180] =	vst v63  }
0x53: {  	_ =	swait.ge [sflag:s28], $0x1400  }
0x54: {  	[sflag:s28] =	ssyncset.done $0x0  }
0x55: {  	[sflag:s28] =	ssyncadd.s32 $0xFFFFEC00  }
0x56: {  	[spmem:s16] =	stream.linear.scatter [tilespmem:s26], [sflag:$0x2], $0x1400, $0x38;
	[tilespmem:$0x1B180] =	vst v63  }
0x57: {  	_ =	swait.ge [sflag:s28], $0x1400  }
0x58: {  	[sflag:s28] =	ssyncset.done $0x0  }
0x59: {  	[sflag:s28] =	ssyncadd.s32 $0xFFFFEC00  }
0x5a: {  	[spmem:s17] =	stream.linear.scatter [tilespmem:s26], [sflag:$0x2], $0x1400, $0x38;
	[tilespmem:$0x1B180] =	vst v63  }
0x5b: {  	_ =	swait.ge [sflag:s28], $0x1400  }
0x5c: {  	[sflag:s28] =	ssyncset.done $0x0  }
0x5d: {  	[sflag:s28] =	ssyncadd.s32 $0xFFFFEC00  }
0x5e: {  	[spmem:s18] =	stream.linear.scatter [tilespmem:s26], [sflag:$0x2], $0x1400, $0x38;
	[tilespmem:$0x1B180] =	vst v63  }
0x5f: {  	_ =	swait.ge [sflag:s28], $0x1400  }
0x60: {  	[sflag:s28] =	ssyncset.done $0x0  }
0x61: {  	[sflag:s28] =	ssyncadd.s32 $0xFFFFEC00  }
0x62: {  	[spmem:s19] =	stream.linear.scatter [tilespmem:s26], [sflag:$0x2], $0x1400, $0x38;
	[tilespmem:$0x1B180] =	vst v63  }
0x63: {  	_ =	swait.ge [sflag:s28], $0x1400  }
0x64: {  	[sflag:s28] =	ssyncset.done $0x0  }
0x65: {  	[sflag:s28] =	ssyncadd.s32 $0xFFFFEC00  }
0x66: {  	[spmem:s20] =	stream.linear.scatter [tilespmem:s26], [sflag:$0x2], $0x1400, $0x38;
	[tilespmem:$0x1B180] =	vst v63  }
0x67: {  	_ =	swait.ge [sflag:s28], $0x1400  }
0x68: {  	[sflag:s28] =	ssyncset.done $0x0  }
0x69: {  	[sflag:s28] =	ssyncadd.s32 $0xFFFFEC00  }
0x6a: {  	[spmem:s21] =	stream.linear.scatter [tilespmem:s26], [sflag:$0x2], $0x1400, $0x38;
	[tilespmem:$0x1B180] =	vst v63  }
0x6b: {  	_ =	swait.ge [sflag:s28], $0x1400  }
0x6c: {  	[sflag:s28] =	ssyncset.done $0x0  }
0x6d: {  	[sflag:s28] =	ssyncadd.s32 $0xFFFFEC00  }
0x6e: {  	s9 =	sadd.s32 $0x0, s25;
	[bflag:$0x0] =	sbarrier.arrive $0xFFFF  }
0x6f: {  	[tilespmem:s3], [sflag:$0x2] =	stream.linear.gather [hbm4b:s9+s3], $0xC8, $0x38;
	[tilespmem:$0x1B180] =	vst v63  }
0x70: {  	_ =	swait.ge [sflag:s28], $0xC8  }
0x71: {  	[sflag:s28] =	ssyncset.done $0x0  }
0x72: {  	[sflag:s28] =	ssyncadd.s32 $0xFFFFFF38  }
0x73: {  	[tilespmem:s29], [sflag:$0x2] =	stream.linear.gather [hbm4b:s22+s3], $0x6400, $0x38;
	[tilespmem:$0x1B180] =	vst v63  }
0x74: {  	_ =	swait.ge [sflag:s28], $0x6400  }
0x75: {  	[sflag:s28] =	ssyncset.done $0x0  }
0x76: {  	[sflag:s28] =	ssyncadd.s32 $0xFFFF9C00  }
0x77: {  	[spmem:s2] =	stream.indirect.scatter.add.f32 [tilespmem:s29], [sflag:$0x1], $0x80, s3, s30, $0xb8;
	[tilespmem:$0x1B180] =	vst v63  }
0x78: {  	s6 =	simm.s32 $0x32;
	_ =	swait.ge [sflag:s31], $0x6400  }
0x79: {  	s1 =	sadd.s32 $0xC80, s22;
	s4 =	simm.s32 $0x19;
	[sflag:s31] =	ssyncset.done $0x0  }
.LBB2_4:
0x7a: {  	s8 =	sadd.s32 s4, s25  }
0x7b: {  	[sflag:s31] =	ssyncadd.s32 $0xFFFF9C00;
	s4 =	smov.u32 s6;
	s9 =	sadd.s32 $0x19, s6  }
0x7c: {  	[tilespmem:s3], [sflag:$0x2] =	stream.linear.gather [hbm4b:s8+s3], $0xC8, $0x38;
	[tilespmem:$0x1B180] =	vst v63  }
0x7d: {  	p1 =	sne.s32 s6, $0x2D5;
	_ =	swait.ge [sflag:s28], $0xC8  }
0x7e: {  	[sflag:s28] =	ssyncset.done $0x0  }
0x7f: {  	[sflag:s28] =	ssyncadd.s32 $0xFFFFFF38  }
0x80: {  	[tilespmem:s29], [sflag:$0x2] =	stream.linear.gather [hbm4b:s1+s3], $0x6400, $0x38;
	[tilespmem:$0x1B180] =	vst v63  }
0x81: {  	_ =	swait.ge [sflag:s28], $0x6400  }
.Ltmp1:
0x82: {  	[sflag:s28] =	ssyncset.done $0x0;
	(pc) =	sbr.rel @p1 .LBB2_4-.Ltmp1, $4  }
0x83: {  	[sflag:s28] =	ssyncadd.s32 $0xFFFF9C00  }
0x84: {  	[spmem:s2] =	stream.indirect.scatter.add.f32 [tilespmem:s29], [sflag:$0x1], $0x80, s3, s30, $0xb8;
	[tilespmem:$0x1B180] =	vst v63  }
0x85: {  	_ =	swait.ge [sflag:s31], $0x6400  }
0x86: {  	s6 =	smov.u32 s9;
	s1 =	sadd.s32 $0xC80, s1;
	[sflag:s31] =	ssyncset.done $0x0  }
0x87: {  	s4 =	sadd.s32 s4, s25;
	[sflag:s31] =	ssyncadd.s32 $0xFFFF9C00  }
0x88: {  	[tilespmem:s3], [sflag:$0x2] =	stream.linear.gather [hbm4b:s4+s3], $0xC8, $0x38;
	[tilespmem:$0x1B180] =	vst v63  }
0x89: {  	_ =	swait.ge [sflag:s28], $0xC8  }
0x8a: {  	[sflag:s28] =	ssyncset.done $0x0  }
0x8b: {  	[sflag:s28] =	ssyncadd.s32 $0xFFFFFF38  }
0x8c: {  	[tilespmem:s29], [sflag:$0x2] =	stream.linear.gather [hbm4b:s1+s3], $0x6400, $0x38;
	[tilespmem:$0x1B180] =	vst v63  }
0x8d: {  	_ =	swait.ge [sflag:s28], $0x6400  }
0x8e: {  	[sflag:s28] =	ssyncset.done $0x0  }
0x8f: {  	[sflag:s28] =	ssyncadd.s32 $0xFFFF9C00  }
0x90: {  	[spmem:s2] =	stream.indirect.scatter.add.f32 [tilespmem:s29], [sflag:$0x1], $0x80, s3, s30, $0xb8;
	[tilespmem:$0x1B180] =	vst v63  }
0x91: {  	_ =	swait.ge [sflag:s31], $0x6400  }
0x92: {  	[sflag:s31] =	ssyncset.done $0x0  }
0x93: {  	[sflag:s31] =	ssyncadd.s32 $0xFFFF9C00  }
0x94: {  	[bflag:$0x0] =	sbarrier.arrive $0xFFFF  }
0x95: {  	s4 =	simm.s32 @p0 $0x1FC2;
	s1 =	sshrl.u32 @p0 s7, $0x3;
	s6 =	rddreg [dreg:$0x4]  }
0x96: {  	[hbm:s6], [sflag:s4] =	dma.local @p0 [spmem:s1], $0x1900  }
0x97: {  	s1 =	simm.s32 @p0 $0x2  }
0x98: {  	s4 =	stileid.u32;
	_ =	swait.ge @p0 [sflag:s1], $0x1900  }
0x99: {  	s4 =	sshll.u32 @!p0 s4, $0x6;
	[sflag:s1] =	ssyncset.done @p0 $0x0;
	s6 =	rddreg [dreg:$0x3]  }
0x9a: {  	[sflag:s1] =	ssyncadd.s32 @p0 $0xFFFFE700;
	s1 =	sor.u32 @!p0 $0x1C02, s4;
	s4 =	sshrl.u32 @!p0 s5, $0x3  }
0x9b: {  	[hbm:s6], [sflag:s1] =	dma.local @!p0 [spmem:s4], $0x2800  }
0x9c: {  	s1 =	simm.s32 @!p0 $0x2  }
0x9d: {  	_ =	swait.ge @!p0 [sflag:s1], $0x2800  }
0x9e: {  	s0 =	sadd.s32 $0x1, s0;
	s9 =	rddreg [dreg:$0x5]  }
0x9f: {  	p1 =	sne.s32 s0, s9  }
.Ltmp2:
0xa0: {  	_ = 	snop;
	(pc) =	sbr.rel @p1 .LBB2_1-.Ltmp2, $3  }
0xa1: {  	_ =	sdelay $0x1  }
0xa2: {  	[sflag:s1] =	ssyncset.done @!p0 $0x0  }
0xa3: {  	[sflag:s1] =	ssyncadd.s32 @!p0 $0xFFFFD800  }
0xa4: {  	_ =	sfence.sel $0x180000  }
0xa5: {  	[bflag:$0x0] =	sbarrier.arrive $0xFFFF  }
0xa6: {  	_ =	strace $0x9000004D  }
0xa7: {  	s0 =	stileid.u32;
	[bflag:$0x2] =	sbarrier.arrive $0xFFFF  }
0xa8: {  	p0 =	sne.s32 s0, $0x0;
	s0 =	rddreg [dreg:$0x2]  }
0xa9: {  	s0 =	sadd.s32 @!p0 $0x100000, s0  }
0xaa: {  	[sflag:s0] =	ssyncadd.tile.s32 @!p0 $0x1;
	_ =	shalt  }
.Lfunc_end2:
_tile_overlayer_lowered:
.L_overlay_start_2:
0xab: {  	(tag) =	ssettag $0x2  }
0xac: {  	s0 =	rddreg [dreg:$0x0];
	s2 =	stileid.u32  }
0xad: {  	s1 =	rddreg [dreg:$0x1];
	p0 =	sne.s32 s2, $0x0  }
0xae: {  	s3 =	rddreg [dreg:$0x2];
	[bflag:$0x3] =	sbarrier.arrive $0xFFFF;
	s2 =	simm.s32 @!p0 $0x1C02  }
0xaf: {  	[timem:s3], [sflag:s2] =	dma.local @!p0 [hbm:s0], s1  }
0xb0: {  	s0 =	simm.s32 @!p0 $0x2  }
0xb1: {  	_ =	swait.ge @!p0 [sflag:s0], s1  }
0xb2: {  	s1 =	ssub.s32 @!p0 $0x0, s1;
	[sflag:s0] =	ssyncset.done @!p0 $0x0  }
0xb3: {  	[sflag:s0] =	ssyncadd.s32 @!p0 s1  }
0xb4: {  	[bflag:$0x3] =	sbarrier.arrive $0xFFFF  }
0xb5: {  	_ =	shalt  }

// kernel: kernel.16.cloned.1.call-start
scs
__scs_entry_jumppad:
0x0: {  	(pc) =	sbr.rel $0x88, $3  }
0x1: {  	(tag) =	ssettag $0x0;
	lr =	simm.s32 $0x1  }
0x2: {  	[smem:$0x3F9A] =	sst lr;
	_ =	strace $0xD0000000  }
0x3: {  	_ = 	snop  }
0x4: {  	_ = 	snop  }
0x5: {  	_ = 	snop  }
0x6: {  	_ = 	snop  }
0x7: {  	_ = 	snop  }
__scs_overlays_trampoline_lowered:
0x8: {  	[smem:$0x3FA9] =	sst s0  }
0x9: {  	[smem:$0x3FAA] =	sst s1  }
0xa: {  	[smem:$0x3FAB] =	sst s2  }
0xb: {  	[smem:$0x3FAC] =	sst s3  }
0xc: {  	[smem:$0x3FAD] =	sst s4  }
0xd: {  	[smem:$0x3FAE] =	sst s5  }
0xe: {  	[smem:$0x3FAF] =	sst s6  }
0xf: {  	[smem:$0x3FB0] =	sst s7  }
0x10: {  	[smem:$0x3FB1] =	sst s8  }
0x11: {  	[smem:$0x3FB2] =	sst s9;
	s0 =	simm.s32 @!p0 $0x0  }
0x12: {  	s1 =	sld [smem:$0x3F98];
	s0 =	simm.s32 @p0 $0x1  }
0x13: {  	[smem:$0x3FB3] =	sst s0;
	s0 =	simm.s32 @!p1 $0x0  }
0x14: {  	s2 =	sld [smem:$0x3F97];
	s0 =	simm.s32 @p1 $0x1  }
0x15: {  	[smem:$0x3FB4] =	sst s0;
	s0 =	simm.s32 @!p2 $0x0  }
0x16: {  	s3 =	sld [smem:$0x3FDB];
	s0 =	simm.s32 @p2 $0x1  }
0x17: {  	s4 =	simm.s32 $0x1BF5;
	[smem:$0x3FB6] =	sst s0  }
0x18: {  	s0 =	sld [smem:$0x3F99];
	_ =	swait.ge [sflag:s4], $0x0  }
0x19: {  	s7 =	sld [smem:$0x3F9A]  }
0x1a: {  	s8 =	sadd.s32 $0xFFFFE003, lr  }
0x1b: {  	s9 =	sadd.s32 $0xFFFFFEF7, lr;
	s5 =	simm.s32 $0xFFFFFFFF;
	p2 =	slt.u32 s8, $0xFFFFF086  }
0x1c: {  	p1 =	slt.u32 s9, $0xF7A;
	s5 =	simm.s32 @!p2 $0x0  }
0x1d: {  	s5 =	simm.s32 @p1 $0x1;
	p0 =	seq.s32 s7, s2  }
0x1e: {  	s7 =	smul.u32 @!p0 $0xF7A, s2;
	p2 =	seq.s32 @!p0 s5, $0x0  }
0x1f: {  	s9 =	smul.u32 $0xF7A, s1;
	s8 =	simm.s32 @!p0 $0x1BF5;
	p2 =	por !p2, p0  }
0x20: {  	[sflag:s8] =	ssyncset.s32 @!p0 $0xFFFFF086;
	s6 =	sadd.s32 @!p0 s3, s7;
	s7 =	simm.s32 @!p0 $0x108  }
0x21: {  	s3 =	sadd.s32 s3, s9;
	s6 =	sadd.s32 @!p0 $0x88, s6;
	s7 =	simm.s32 @p2 $0x1082  }
0x22: {  	[simem:s7], [sflag:s8] =	dma.local @!p0 [hbm:s6], $0xF7A  }
0x23: {  	s9 =	sor.u32 $0xD0000000, s2;
	s6 =	simm.s32 $0x108;
	_ =	swait.ge @!p0 [sflag:s8], $0x0  }
0x24: {  	s3 =	sadd.s32 $0x88, s3;
	s6 =	simm.s32 @!p1 $0x1082;
	[sflag:s4] =	ssyncset.s32 $0xFFFFF086  }
0x25: {  	[simem:s6], [sflag:s4] =	dma.local [hbm:s3], $0xF7A  }
0x26: {  	[smem:$0x3F9A] =	sst s1;
	(tag) =	ssettag s2;
	_ =	strace s9  }
0x27: {  	s1 =	sld [smem:$0x3FAA]  }
0x28: {  	s2 =	sld [smem:$0x3FAB]  }
0x29: {  	s4 =	sld [smem:$0x3FAD]  }
0x2a: {  	p0 =	seq.s32 s5, $0x0;
	s5 =	sld [smem:$0x3FAE]  }
0x2b: {  	s6 =	sld [smem:$0x3FAF]  }
0x2c: {  	s7 =	sld [smem:$0x3FB0]  }
0x2d: {  	s3 =	simm.s32 $0x108;
	s8 =	sld [smem:$0x3FB1]  }
0x2e: {  	s3 =	simm.s32 @!p0 $0x1082;
	s9 =	sld [smem:$0x3FB2]  }
0x2f: {  	lr =	sadd.s32 s0, s3;
	s0 =	sld [smem:$0x3FA9]  }
0x30: {  	s3 =	sld [smem:$0x3FAC]  }
0x31: {  	[smem:$0x3FB5] =	sst s10  }
0x32: {  	s10 =	sld [smem:$0x3FB3];
	_ =	sdelay $0x3  }
0x33: {  	p0 =	seq.s32 s10, $0x1;
	s10 =	sld [smem:$0x3FB5];
	_ =	sdelay $0x3  }
0x34: {  	[smem:$0x3FB5] =	sst s10  }
0x35: {  	s10 =	sld [smem:$0x3FB4];
	_ =	sdelay $0x3  }
0x36: {  	p1 =	seq.s32 s10, $0x1;
	s10 =	sld [smem:$0x3FB5];
	_ =	sdelay $0x3  }
0x37: {  	[smem:$0x3FB5] =	sst s10  }
0x38: {  	s10 =	sld [smem:$0x3FB6]  }
0x39: {  	_ = 	snop;
	(pc) =	sbr.ind lr, $3  }
0x3a: {  	_ = 	snop  }
0x3b: {  	_ = 	snop  }
0x3c: {  	p2 =	seq.s32 s10, $0x1;
	s10 =	sld [smem:$0x3FB5]  }
0x3d: {  	_ =	shalt  }
0x3e: {  	_ =	shalt  }
0x3f: {  	_ =	shalt  }
0x40: {  	_ =	shalt  }
0x41: {  	_ =	shalt  }
0x42: {  	_ =	shalt  }
0x43: {  	_ =	shalt  }
0x44: {  	_ =	shalt  }
0x45: {  	_ =	shalt  }
0x46: {  	_ =	shalt  }
0x47: {  	_ =	shalt  }
0x48: {  	_ =	shalt  }
0x49: {  	_ =	shalt  }
0x4a: {  	_ =	shalt  }
0x4b: {  	_ =	shalt  }
0x4c: {  	_ =	shalt  }
0x4d: {  	_ =	shalt  }
0x4e: {  	_ =	shalt  }
0x4f: {  	_ =	shalt  }
0x50: {  	_ =	shalt  }
0x51: {  	_ =	shalt  }
0x52: {  	_ =	shalt  }
0x53: {  	_ =	shalt  }
0x54: {  	_ =	shalt  }
0x55: {  	_ =	shalt  }
0x56: {  	_ =	shalt  }
0x57: {  	_ =	shalt  }
0x58: {  	_ =	shalt  }
0x59: {  	_ =	shalt  }
0x5a: {  	_ =	shalt  }
0x5b: {  	_ =	shalt  }
0x5c: {  	_ =	shalt  }
0x5d: {  	_ =	shalt  }
0x5e: {  	_ =	shalt  }
0x5f: {  	_ =	shalt  }
0x60: {  	_ =	shalt  }
0x61: {  	_ =	shalt  }
0x62: {  	_ =	shalt  }
0x63: {  	_ =	shalt  }
0x64: {  	_ =	shalt  }
0x65: {  	_ =	shalt  }
0x66: {  	_ =	shalt  }
0x67: {  	_ =	shalt  }
0x68: {  	_ =	shalt  }
0x69: {  	_ =	shalt  }
0x6a: {  	_ =	shalt  }
0x6b: {  	_ =	shalt  }
0x6c: {  	_ =	shalt  }
0x6d: {  	_ =	shalt  }
0x6e: {  	_ =	shalt  }
0x6f: {  	_ =	shalt  }
0x70: {  	_ =	shalt  }
0x71: {  	_ =	shalt  }
0x72: {  	_ =	shalt  }
0x73: {  	_ =	shalt  }
0x74: {  	_ =	shalt  }
0x75: {  	_ =	shalt  }
0x76: {  	_ =	shalt  }
0x77: {  	_ =	shalt  }
0x78: {  	_ =	shalt  }
0x79: {  	_ =	shalt  }
0x7a: {  	_ =	shalt  }
0x7b: {  	_ =	shalt  }
0x7c: {  	_ =	shalt  }
0x7d: {  	_ =	shalt  }
0x7e: {  	_ =	shalt  }
0x7f: {  	_ =	shalt  }
0x80: {  	_ =	shalt  }
0x81: {  	_ =	shalt  }
0x82: {  	_ =	shalt  }
0x83: {  	_ =	shalt  }
0x84: {  	_ =	shalt  }
0x85: {  	_ =	shalt  }
0x86: {  	_ =	shalt  }
0x87: {  	_ =	shalt  }
.Lfunc_end0:
.L_simem_size_0:
called_computation.2_lowered:
.L_overlay_start_0:
0x88: {  	s2 =	sld [smem:$0x3FD9]  }
0x89: {  	s3 =	sld [smem:$0x3FFE];
	_ =	sdelay $0x1  }
0x8a: {  	s1 =	srdreg.scid  }
0x8b: {  	s0 =	sand.u32 $0x1, s1  }
0x8c: {  	s17 =	sshll.u32 s0, $0xA;
	s2 =	sadd.s32 s3, s2  }
0x8d: {  	s2 =	sadd.s32 s2, s17  }
0x8e: {  	[smem:$0x3FC1] =	sst s2  }
0x8f: {  	_ = 	snop  }
0x90: {  	s18 =	sld [smem:$0x3FD0];
	(tm) =	ssettm $0x1  }
0x91: {  	s19 =	sld [smem:$0x3FFB];
	_ =	sdelay $0x3  }
0x92: {  	_ =	strace s19  }
0x93: {  	s2 =	sld [smem:$0x3FFC];
	_ =	sdelay $0x3  }
0x94: {  	_ =	strace s2  }
0x95: {  	s2 =	sld [smem:$0x3FFD];
	_ =	sdelay $0x3  }
0x96: {  	_ =	strace s2  }
0x97: {  	_ =	strace $0x8FFFFFFF  }
0x98: {  	s20 =	sld [smem:$0x3FDB];
	_ =	sdelay $0x1  }
0x99: {  	s4 =	simm.s32 $_scs_section_size  }
0x9a: {  	s5 =	simm.s32 $_size__tile_overlayer_lowered;
	s6 =	simm.s32 $_tile_overlayer_lowered  }
0x9b: {  	s7 =	simm.s32 $0x1BFF;
	s21 =	sshll.u32 s6, $0x1;
	s4 =	sadd.s32 s4, s20  }
0x9c: {  	s22 =	simm.s32 $0x0;
	s5 =	sshll.u32 s5, $0x1;
	s6 =	sadd.s32 s21, s4  }
0x9d: {  	[timem:s22], [sflag:s7] =	dma.local [hbm:s6], s5  }
0x9e: {  	_ =	swait.ge [sflag:s7], s5  }
0x9f: {  	s5 =	ssub.s32 $0x0, s5;
	[sflag:s7] =	ssyncset.done $0x0  }
0xa0: {  	[sflag:s7] =	ssyncadd.s32 s5;
	_ =	sdelay $0x1  }
0xa1: {  	s23 =	simm.s32 $0x1B8B  }
0xa2: {  	_ =	swait.ge [sflag:s23], $0x1  }
0xa3: {  	[sflag:s23] =	ssyncset.done $0x0  }
0xa4: {  	[sflag:s23] =	ssyncadd.s32 $0xFFFFFFFF  }
0xa5: {  	s5 =	sld [smem:$0x0]  }
0xa6: {  	s6 =	sand.u32 $0xFFFFFFFE, s1  }
0xa7: {  	p0 =	sne.s32 s1, s6  }
0xa8: {  	s6 =	sshll.u32 @p0 s6, $0xE  }
0xa9: {  	s6 =	sadd.s32 @p0 $0x11B8D, s6;
	s7 =	sshll.u32 @p0 s5, $0x11  }
0xaa: {  	s6 =	sor.u32 @p0 s7, s6  }
0xab: {  	[sflag:s6] =	ssyncadd.remote.s32 @p0 $0x1;
	_ =	sdelay $0x1  }
0xac: {  	s6 =	simm.s32 @p0 $0x1B8D  }
0xad: {  	_ =	swait.eq @p0 [sflag:s6], $0x1  }
0xae: {  	[sflag:s6] =	ssyncadd.s32 @p0 $0xFFFFFFFF  }
0xaf: {  	s7 =	sshll.u32 @!p0 s1, $0xE  }
0xb0: {  	s7 =	sor.u32 @!p0 $0x4000, s7;
	s6 =	simm.s32 @!p0 $0x1B8D  }
0xb1: {  	s5 =	sshll.u32 @!p0 s5, $0x11;
	s7 =	sadd.s32 @!p0 $0x11B8D, s7;
	_ =	swait.eq @!p0 [sflag:s6], $0x1  }
0xb2: {  	s5 =	sor.u32 @!p0 s5, s7;
	[sflag:s6] =	ssyncadd.s32 @!p0 $0xFFFFFFFF  }
0xb3: {  	s25 =	simm.s32 $0x1B8E;
	s24 =	sld [smem:$0x3FFE];
	[sflag:s5] =	ssyncadd.remote.s32 @!p0 $0x1  }
0xb4: {  	s26 =	simm.s32 $execute0_lowered;
	[smem:$0x3FD2] =	sst s25  }
0xb5: {  	s6 =	sshll.u32 s26, $0x1;
	_ =	strace $0x80000049;
	[dreg:$0x1] =	wrdreg $0xFFFFFFFF  }
0xb6: {  	s28 =	simm.s32 $_size_execute0_lowered;
	s4 =	sadd.s32 s4, s6;
	[dreg:$0x0] =	wrdreg $0x0  }
0xb7: {  	s6 =	sshll.u32 s28, $0x1;
	[dreg:$0x2] =	wrdreg s4  }
0xb8: {  	[dreg:$0x3] =	wrdreg s6  }
0xb9: {  	[dreg:$0x4] =	wrdreg $0xC0  }
0xba: {  	_ =	task [dreg:s22], $0x5FFFF  }
0xbb: {  	[dreg:$0x1] =	wrdreg $0xFFFFFFFF  }
0xbc: {  	[dreg:$0x0] =	wrdreg $0x60  }
0xbd: {  	[dreg:$0x2] =	wrdreg s18  }
0xbe: {  	[dreg:$0x3] =	wrdreg s24  }
0xbf: {  	[dreg:$0x4] =	wrdreg $0xA  }
0xc0: {  	_ =	task.clear_ibuf [dreg:s22], $0x5FFFF;
	_ =	strace $0x90000049  }
0xc1: {  	s29 =	simm.s32 $0xA;
	_ =	strace $0x8000004B  }
0xc2: {  	_ =	swait.ge [sflag:s29], $0x1  }
0xc3: {  	[sflag:s29] =	ssyncadd.s32 $0xFFFFFFFF  }
0xc4: {  	_ =	strace $0x9000004B  }
0xc5: {  	_ =	sfence  }
0xc6: {  	s30 =	sld [smem:$0x0];
	_ =	sdelay $0x2  }
0xc7: {  	s31 =	sshll.u32 s1, $0xD;
	s1 =	sshrl.u32 s1, $0x2  }
0xc8: {  	s4 =	sand.u32 $0x4000, s31;
	s1 =	sadd.s32 s1, s30  }
0xc9: {  	s0 =	sor.u32 s4, s0;
	s1 =	sshll.u32 s1, $0x11  }
0xca: {  	s0 =	sor.u32 s1, s0  }
0xcb: {  	s0 =	sadd.s32 $0x8F2B, s0  }
0xcc: {  	[sflag:s0] =	ssyncadd.remote.s32 $0x1  }
0xcd: {  	_ =	sfence.sel $0xFFFF  }
0xce: {  	[dreg:$0x0] =	wrdreg $0xFFFFFFFF;
	(pc) =	sbr.abs _section_cstart, $3  }
0xcf: {  	[dreg:$0x1] =	wrdreg $0xFFFFFFFF  }
0xd0: {  	_ =	task.clear_ibuf [dreg:s22], $0x2FFFF;
	_ =	strace $0x9FFFFFFF  }
0xd1: {  	(tm) =	ssettm $0x7FFFFFFF  }
tec
execute0_lowered:
.L_overlay_start_1:
0x0: {  	(tag) =	ssettag $0x1  }
0x1: {  	s1 =	rddreg [dreg:$0x0]  }
0x2: {  	s6 =	rddreg [dreg:$0x1]  }
0x3: {  	s0 =	rddreg [dreg:$0x2]  }
0x4: {  	s3 =	simm.s32 $0x0;
	s4 =	srdreg.scid;
	s2 =	stileid.u32  }
0x5: {  	s11 =	simm.s32 $0xC8;
	s12 =	simm.s32 $0x200;
	s13 =	simm.s32 $0x6600  }
0x6: {  	s14 =	simm.s32 $0x1;
	s15 =	simm.s32 $0x2;
	s16 =	simm.s32 $0x0  }
0x7: {  	[smem:$0x7FF] =	sst s3;
	s7 =	sand.u32 $0x1, s4;
	s4 =	sadd.s32 $0x17EA00, s6  }
0x8: {  	s9 =	sshll.u32 s2, $0x1;
	s5 =	sadd.s32 $0x180A00, s6;
	s8 =	ssub.s32 $0x2, s7  }
0x9: {  	s6 =	sadd.s32 $0x182A00, s6;
	_ =	strace $0x8000004A;
	s10 =	sshrl.u32 s8, $0x1  }
0xa: {  	s7 =	sor.u32 s7, s9;
	s9 =	simm.s32 $0x3;
	s8 =	ssub.s32 s8, s10  }
0xb: {  	s7 =	smul.u32 $0x7D0, s7;
	s10 =	simm.s32 $0x100;
	s8 =	smax.u32 s8, $0x1  }
.LBB2_1:
0xc: {  	s17 =	simm.s32 $0x0  }
.LBB2_2:
0xd: {  	s18 =	smul.u32 $0xC8, s17;
	_ =	sdelay $0x1  }
0xe: {  	s18 =	sadd.s32 s7, s18  }
0xf: {  	s19 =	sshrl.u32 s18, $0x3  }
0x10: {  	s20 =	sadd.s32 s4, s19  }
0x11: {  	[tilespmem:s3], [sflag:$0x3] =	stream.linear.gather [hbm4b:s20+s3], $0xC8, $0x38;
	[tilespmem:$0xCA00] =	vst v63  }
0x12: {  	_ =	swait.ge [sflag:s9], $0xC8  }
0x13: {  	[sflag:s9] =	ssyncset.done $0x0  }
0x14: {  	s19 =	sadd.s32 s5, s19;
	[sflag:s9] =	ssyncadd.s32 $0xFFFFFF38  }
0x15: {  	[tilespmem:s10], [sflag:$0x3] =	stream.linear.gather [hbm4b:s19+s3], $0xC8, $0x38;
	[tilespmem:$0xCA00] =	vst v63  }
0x16: {  	_ =	swait.ge [sflag:s9], $0xC8  }
0x17: {  	[sflag:s9] =	ssyncset.done $0x0  }
0x18: {  	[sflag:s9] =	ssyncadd.s32 $0xFFFFFF38  }
0x19: {  	[tilespmem:s12], [sflag:$0x1] =	stream.indirect.gather [hbm4b:s1+s11], $0x80, s3, s11, $0xb8;
	[tilespmem:$0xCA00] =	vst v63  }
0x1a: {  	_ = 	snop  }
0x1b: {  	[tilespmem:s13], [sflag:$0x2] =	stream.indirect.gather [hbm4b:s1+s11], $0x80, s10, s11, $0xb8;
	[tilespmem:$0xCA00] =	vst v63  }
0x1c: {  	_ =	swait.ge [sflag:s14], $0x6400  }
0x1d: {  	[sflag:s14] =	ssyncset.done $0x0  }
0x1e: {  	[sflag:s14] =	ssyncadd.s32 $0xFFFF9C00  }
0x1f: {  	_ =	swait.ge [sflag:s15], $0x6400  }
0x20: {  	[sflag:s15] =	ssyncset.done $0x0  }
0x21: {  	s19 =	simm.s32 $0x20;
	[sflag:s15] =	ssyncadd.s32 $0xFFFF9C00  }
0x22: {  	s20 =	simm.s32 $0x280;
	v0 =	vld [tilespmem:s19+$0x6600]  }
.LBB2_3:
0x23: {  	p0 =	sne.s32 s20, $0x18E80;
	v1 =	vld [tilespmem:s19+$0x200];
	_ =	sdelay $0x2  }
.Ltmp0:
0x24: {  	(pc) =	sbr.rel @p0 .LBB2_3-.Ltmp0, $4  }
0x25: {  	_ = 	snop  }
0x26: {  	v1 =	vsub.f32 v1, v0  }
0x27: {  	s21 =	sshra.s32 s20, $0x2  }
0x28: {  	s20 =	sadd.s32 $0x200, s20;
	v0 =	vld [tilespmem:s21+$0x6600];
	[tilespmem:s19+$0x200] =	vst v1;
	s19 =	smov.u32 s21  }
0x29: {  	v1 =	vld [tilespmem:s19+$0x200];
	_ =	sdelay $0x4  }
0x2a: {  	s17 =	sadd.s32 $0x1, s17;
	v0 =	vsub.f32 v1, v0  }
0x2b: {  	s18 =	sshll.u32 s18, $0x4;
	p0 =	sne.s32 s17, $0xA  }
.Ltmp1:
0x2c: {  	s18 =	sadd.s32 s6, s18;
	[tilespmem:s19+$0x200] =	vst v0;
	(pc) =	sbr.rel @p0 .LBB2_2-.Ltmp1, $4  }
0x2d: {  	[hbm4b:s18+s3] =	stream.linear.scatter [tilespmem:s12], [sflag:$0x3], $0x6400, $0x38;
	[tilespmem:$0xCA00] =	vst v63  }
0x2e: {  	_ =	swait.ge [sflag:s9], $0x6400  }
0x2f: {  	[sflag:s9] =	ssyncset.done $0x0  }
0x30: {  	[sflag:s9] =	ssyncadd.s32 $0xFFFF9C00  }
0x31: {  	s16 =	sadd.s32 $0x1, s16  }
0x32: {  	p0 =	sne.s32 s16, s8  }
.Ltmp2:
0x33: {  	_ = 	snop;
	(pc) =	sbr.rel @p0 .LBB2_1-.Ltmp2, $1  }
0x34: {  	_ =	sdelay $0x3  }
0x35: {  	_ =	sfence.sel $0x180000  }
0x36: {  	[bflag:$0x0] =	sbarrier.arrive $0xFFFF  }
0x37: {  	p0 =	sne.s32 s2, $0x0;
	_ =	strace $0x9000004A  }
0x38: {  	s0 =	sadd.s32 @!p0 $0x100000, s0;
	[bflag:$0x2] =	sbarrier.arrive $0xFFFF  }
0x39: {  	[sflag:s0] =	ssyncadd.tile.s32 @!p0 $0x1;
	_ =	shalt  }
.Lfunc_end2:
_tile_overlayer_lowered:
.L_overlay_start_2:
0x3a: {  	(tag) =	ssettag $0x2  }
0x3b: {  	s0 =	rddreg [dreg:$0x0];
	s2 =	stileid.u32  }
0x3c: {  	s1 =	rddreg [dreg:$0x1];
	p0 =	sne.s32 s2, $0x0  }
0x3d: {  	s3 =	rddreg [dreg:$0x2];
	[bflag:$0x3] =	sbarrier.arrive $0xFFFF;
	s2 =	simm.s32 @!p0 $0x1C03  }
0x3e: {  	[timem:s3], [sflag:s2] =	dma.local @!p0 [hbm:s0], s1  }
0x3f: {  	s0 =	simm.s32 @!p0 $0x3  }
0x40: {  	_ =	swait.ge @!p0 [sflag:s0], s1  }
0x41: {  	s1 =	ssub.s32 @!p0 $0x0, s1;
	[sflag:s0] =	ssyncset.done @!p0 $0x0  }
0x42: {  	[sflag:s0] =	ssyncadd.s32 @!p0 s1  }
0x43: {  	[bflag:$0x3] =	sbarrier.arrive $0xFFFF  }
0x44: {  	_ =	shalt  }

// kernel: kernel.19.cloned.1.call-start
scs
__scs_entry_jumppad:
0x0: {  	(pc) =	sbr.rel $0x88, $3  }
0x1: {  	(tag) =	ssettag $0x0;
	lr =	simm.s32 $0x1  }
0x2: {  	[smem:$0x3F9A] =	sst lr;
	_ =	strace $0xD0000000  }
0x3: {  	_ = 	snop  }
0x4: {  	_ = 	snop  }
0x5: {  	_ = 	snop  }
0x6: {  	_ = 	snop  }
0x7: {  	_ = 	snop  }
__scs_overlays_trampoline_lowered:
0x8: {  	[smem:$0x3FA9] =	sst s0  }
0x9: {  	[smem:$0x3FAA] =	sst s1  }
0xa: {  	[smem:$0x3FAB] =	sst s2  }
0xb: {  	[smem:$0x3FAC] =	sst s3  }
0xc: {  	[smem:$0x3FAD] =	sst s4  }
0xd: {  	[smem:$0x3FAE] =	sst s5  }
0xe: {  	[smem:$0x3FAF] =	sst s6  }
0xf: {  	[smem:$0x3FB0] =	sst s7  }
0x10: {  	[smem:$0x3FB1] =	sst s8  }
0x11: {  	[smem:$0x3FB2] =	sst s9;
	s0 =	simm.s32 @!p0 $0x0  }
0x12: {  	s1 =	sld [smem:$0x3F98];
	s0 =	simm.s32 @p0 $0x1  }
0x13: {  	[smem:$0x3FB3] =	sst s0;
	s0 =	simm.s32 @!p1 $0x0  }
0x14: {  	s2 =	sld [smem:$0x3F97];
	s0 =	simm.s32 @p1 $0x1  }
0x15: {  	[smem:$0x3FB4] =	sst s0;
	s0 =	simm.s32 @!p2 $0x0  }
0x16: {  	s3 =	sld [smem:$0x3FDB];
	s0 =	simm.s32 @p2 $0x1  }
0x17: {  	s4 =	simm.s32 $0x1BF5;
	[smem:$0x3FB6] =	sst s0  }
0x18: {  	s0 =	sld [smem:$0x3F99];
	_ =	swait.ge [sflag:s4], $0x0  }
0x19: {  	s7 =	sld [smem:$0x3F9A]  }
0x1a: {  	s8 =	sadd.s32 $0xFFFFE003, lr  }
0x1b: {  	s9 =	sadd.s32 $0xFFFFFEF7, lr;
	s5 =	simm.s32 $0xFFFFFFFF;
	p2 =	slt.u32 s8, $0xFFFFF086  }
0x1c: {  	p1 =	slt.u32 s9, $0xF7A;
	s5 =	simm.s32 @!p2 $0x0  }
0x1d: {  	s5 =	simm.s32 @p1 $0x1;
	p0 =	seq.s32 s7, s2  }
0x1e: {  	s7 =	smul.u32 @!p0 $0xF7A, s2;
	p2 =	seq.s32 @!p0 s5, $0x0  }
0x1f: {  	s9 =	smul.u32 $0xF7A, s1;
	s8 =	simm.s32 @!p0 $0x1BF5;
	p2 =	por !p2, p0  }
0x20: {  	[sflag:s8] =	ssyncset.s32 @!p0 $0xFFFFF086;
	s6 =	sadd.s32 @!p0 s3, s7;
	s7 =	simm.s32 @!p0 $0x108  }
0x21: {  	s3 =	sadd.s32 s3, s9;
	s6 =	sadd.s32 @!p0 $0x88, s6;
	s7 =	simm.s32 @p2 $0x1082  }
0x22: {  	[simem:s7], [sflag:s8] =	dma.local @!p0 [hbm:s6], $0xF7A  }
0x23: {  	s9 =	sor.u32 $0xD0000000, s2;
	s6 =	simm.s32 $0x108;
	_ =	swait.ge @!p0 [sflag:s8], $0x0  }
0x24: {  	s3 =	sadd.s32 $0x88, s3;
	s6 =	simm.s32 @!p1 $0x1082;
	[sflag:s4] =	ssyncset.s32 $0xFFFFF086  }
0x25: {  	[simem:s6], [sflag:s4] =	dma.local [hbm:s3], $0xF7A  }
0x26: {  	[smem:$0x3F9A] =	sst s1;
	(tag) =	ssettag s2;
	_ =	strace s9  }
0x27: {  	s1 =	sld [smem:$0x3FAA]  }
0x28: {  	s2 =	sld [smem:$0x3FAB]  }
0x29: {  	s4 =	sld [smem:$0x3FAD]  }
0x2a: {  	p0 =	seq.s32 s5, $0x0;
	s5 =	sld [smem:$0x3FAE]  }
0x2b: {  	s6 =	sld [smem:$0x3FAF]  }
0x2c: {  	s7 =	sld [smem:$0x3FB0]  }
0x2d: {  	s3 =	simm.s32 $0x108;
	s8 =	sld [smem:$0x3FB1]  }
0x2e: {  	s3 =	simm.s32 @!p0 $0x1082;
	s9 =	sld [smem:$0x3FB2]  }
0x2f: {  	lr =	sadd.s32 s0, s3;
	s0 =	sld [smem:$0x3FA9]  }
0x30: {  	s3 =	sld [smem:$0x3FAC]  }
0x31: {  	[smem:$0x3FB5] =	sst s10  }
0x32: {  	s10 =	sld [smem:$0x3FB3];
	_ =	sdelay $0x3  }
0x33: {  	p0 =	seq.s32 s10, $0x1;
	s10 =	sld [smem:$0x3FB5];
	_ =	sdelay $0x3  }
0x34: {  	[smem:$0x3FB5] =	sst s10  }
0x35: {  	s10 =	sld [smem:$0x3FB4];
	_ =	sdelay $0x3  }
0x36: {  	p1 =	seq.s32 s10, $0x1;
	s10 =	sld [smem:$0x3FB5];
	_ =	sdelay $0x3  }
0x37: {  	[smem:$0x3FB5] =	sst s10  }
0x38: {  	s10 =	sld [smem:$0x3FB6]  }
0x39: {  	_ = 	snop;
	(pc) =	sbr.ind lr, $3  }
0x3a: {  	_ = 	snop  }
0x3b: {  	_ = 	snop  }
0x3c: {  	p2 =	seq.s32 s10, $0x1;
	s10 =	sld [smem:$0x3FB5]  }
0x3d: {  	_ =	shalt  }
0x3e: {  	_ =	shalt  }
0x3f: {  	_ =	shalt  }
0x40: {  	_ =	shalt  }
0x41: {  	_ =	shalt  }
0x42: {  	_ =	shalt  }
0x43: {  	_ =	shalt  }
0x44: {  	_ =	shalt  }
0x45: {  	_ =	shalt  }
0x46: {  	_ =	shalt  }
0x47: {  	_ =	shalt  }
0x48: {  	_ =	shalt  }
0x49: {  	_ =	shalt  }
0x4a: {  	_ =	shalt  }
0x4b: {  	_ =	shalt  }
0x4c: {  	_ =	shalt  }
0x4d: {  	_ =	shalt  }
0x4e: {  	_ =	shalt  }
0x4f: {  	_ =	shalt  }
0x50: {  	_ =	shalt  }
0x51: {  	_ =	shalt  }
0x52: {  	_ =	shalt  }
0x53: {  	_ =	shalt  }
0x54: {  	_ =	shalt  }
0x55: {  	_ =	shalt  }
0x56: {  	_ =	shalt  }
0x57: {  	_ =	shalt  }
0x58: {  	_ =	shalt  }
0x59: {  	_ =	shalt  }
0x5a: {  	_ =	shalt  }
0x5b: {  	_ =	shalt  }
0x5c: {  	_ =	shalt  }
0x5d: {  	_ =	shalt  }
0x5e: {  	_ =	shalt  }
0x5f: {  	_ =	shalt  }
0x60: {  	_ =	shalt  }
0x61: {  	_ =	shalt  }
0x62: {  	_ =	shalt  }
0x63: {  	_ =	shalt  }
0x64: {  	_ =	shalt  }
0x65: {  	_ =	shalt  }
0x66: {  	_ =	shalt  }
0x67: {  	_ =	shalt  }
0x68: {  	_ =	shalt  }
0x69: {  	_ =	shalt  }
0x6a: {  	_ =	shalt  }
0x6b: {  	_ =	shalt  }
0x6c: {  	_ =	shalt  }
0x6d: {  	_ =	shalt  }
0x6e: {  	_ =	shalt  }
0x6f: {  	_ =	shalt  }
0x70: {  	_ =	shalt  }
0x71: {  	_ =	shalt  }
0x72: {  	_ =	shalt  }
0x73: {  	_ =	shalt  }
0x74: {  	_ =	shalt  }
0x75: {  	_ =	shalt  }
0x76: {  	_ =	shalt  }
0x77: {  	_ =	shalt  }
0x78: {  	_ =	shalt  }
0x79: {  	_ =	shalt  }
0x7a: {  	_ =	shalt  }
0x7b: {  	_ =	shalt  }
0x7c: {  	_ =	shalt  }
0x7d: {  	_ =	shalt  }
0x7e: {  	_ =	shalt  }
0x7f: {  	_ =	shalt  }
0x80: {  	_ =	shalt  }
0x81: {  	_ =	shalt  }
0x82: {  	_ =	shalt  }
0x83: {  	_ =	shalt  }
0x84: {  	_ =	shalt  }
0x85: {  	_ =	shalt  }
0x86: {  	_ =	shalt  }
0x87: {  	_ =	shalt  }
.Lfunc_end0:
.L_simem_size_0:
called_computation.3_lowered:
.L_overlay_start_0:
0x88: {  	s2 =	sld [smem:$0x3FD9]  }
0x89: {  	s3 =	sld [smem:$0x3FFE];
	_ =	sdelay $0x1  }
0x8a: {  	s1 =	srdreg.scid  }
0x8b: {  	s0 =	sand.u32 $0x1, s1  }
0x8c: {  	s17 =	sshll.u32 s0, $0xA;
	s2 =	sadd.s32 s3, s2  }
0x8d: {  	s2 =	sadd.s32 s2, s17  }
0x8e: {  	[smem:$0x3FC1] =	sst s2  }
0x8f: {  	_ = 	snop  }
0x90: {  	(tm) =	ssettm $0x1  }
0x91: {  	s18 =	sld [smem:$0x3FFB];
	_ =	sdelay $0x3  }
0x92: {  	_ =	strace s18  }
0x93: {  	s2 =	sld [smem:$0x3FFC];
	_ =	sdelay $0x3  }
0x94: {  	_ =	strace s2  }
0x95: {  	s2 =	sld [smem:$0x3FFD];
	_ =	sdelay $0x3  }
0x96: {  	_ =	strace s2  }
0x97: {  	_ =	strace $0x8FFFFFFF  }
0x98: {  	s19 =	sld [smem:$0x3FDB];
	_ =	sdelay $0x1  }
0x99: {  	s20 =	simm.s32 $_scs_section_size  }
0x9a: {  	s4 =	simm.s32 $_size__tile_overlayer_lowered;
	s5 =	simm.s32 $_tile_overlayer_lowered  }
0x9b: {  	s6 =	simm.s32 $0x1BFF;
	s21 =	sshll.u32 s5, $0x1;
	s3 =	sadd.s32 s20, s19  }
0x9c: {  	s22 =	simm.s32 $0x0;
	s4 =	sshll.u32 s4, $0x1;
	s5 =	sadd.s32 s21, s3  }
0x9d: {  	[timem:s22], [sflag:s6] =	dma.local [hbm:s5], s4  }
0x9e: {  	_ =	swait.ge [sflag:s6], s4  }
0x9f: {  	s4 =	ssub.s32 $0x0, s4;
	[sflag:s6] =	ssyncset.done $0x0  }
0xa0: {  	[sflag:s6] =	ssyncadd.s32 s4;
	_ =	sdelay $0x1  }
0xa1: {  	s23 =	simm.s32 $0x1B8B  }
0xa2: {  	_ =	swait.ge [sflag:s23], $0x1  }
0xa3: {  	[sflag:s23] =	ssyncset.done $0x0  }
0xa4: {  	[sflag:s23] =	ssyncadd.s32 $0xFFFFFFFF  }
0xa5: {  	s4 =	sld [smem:$0x0]  }
0xa6: {  	s5 =	sand.u32 $0xFFFFFFFE, s1  }
0xa7: {  	p0 =	sne.s32 s1, s5  }
0xa8: {  	s5 =	sshll.u32 @p0 s5, $0xE  }
0xa9: {  	s5 =	sadd.s32 @p0 $0x11B8D, s5;
	s6 =	sshll.u32 @p0 s4, $0x11  }
0xaa: {  	s5 =	sor.u32 @p0 s6, s5  }
0xab: {  	[sflag:s5] =	ssyncadd.remote.s32 @p0 $0x1;
	_ =	sdelay $0x1  }
0xac: {  	s5 =	simm.s32 @p0 $0x1B8D  }
0xad: {  	_ =	swait.eq @p0 [sflag:s5], $0x1  }
0xae: {  	[sflag:s5] =	ssyncadd.s32 @p0 $0xFFFFFFFF  }
0xaf: {  	s6 =	sshll.u32 @!p0 s1, $0xE  }
0xb0: {  	s6 =	sor.u32 @!p0 $0x4000, s6;
	s5 =	simm.s32 @!p0 $0x1B8D  }
0xb1: {  	s4 =	sshll.u32 @!p0 s4, $0x11;
	s6 =	sadd.s32 @!p0 $0x11B8D, s6;
	_ =	swait.eq @!p0 [sflag:s5], $0x1  }
0xb2: {  	s4 =	sor.u32 @!p0 s4, s6;
	[sflag:s5] =	ssyncadd.s32 @!p0 $0xFFFFFFFF  }
0xb3: {  	s25 =	simm.s32 $0x1B8E;
	s24 =	sld [smem:$0x3FFE];
	[sflag:s4] =	ssyncadd.remote.s32 @!p0 $0x1  }
0xb4: {  	s26 =	simm.s32 $execute0_lowered;
	[smem:$0x3FD2] =	sst s25  }
0xb5: {  	s5 =	sshll.u32 s26, $0x1;
	_ =	strace $0x8000004F;
	[dreg:$0x1] =	wrdreg $0xFFFFFFFF  }
0xb6: {  	s28 =	simm.s32 $_size_execute0_lowered;
	s3 =	sadd.s32 s3, s5;
	[dreg:$0x0] =	wrdreg $0x0  }
0xb7: {  	s5 =	sshll.u32 s28, $0x1;
	[dreg:$0x2] =	wrdreg s3  }
0xb8: {  	[dreg:$0x3] =	wrdreg s5  }
0xb9: {  	[dreg:$0x4] =	wrdreg $0xC0  }
0xba: {  	_ =	task [dreg:s22], $0x5FFFF  }
0xbb: {  	[dreg:$0x1] =	wrdreg $0xFFFFFFFF  }
0xbc: {  	[dreg:$0x0] =	wrdreg $0x60  }
0xbd: {  	[dreg:$0x2] =	wrdreg s24  }
0xbe: {  	[dreg:$0x3] =	wrdreg $0x79000  }
0xbf: {  	[dreg:$0x4] =	wrdreg $0xA  }
0xc0: {  	_ =	task.clear_ibuf [dreg:s22], $0x5FFFF;
	_ =	strace $0x9000004F  }
0xc1: {  	s29 =	simm.s32 $0xA;
	_ =	strace $0x80000051  }
0xc2: {  	_ =	swait.ge [sflag:s29], $0x1  }
0xc3: {  	[sflag:s29] =	ssyncadd.s32 $0xFFFFFFFF  }
0xc4: {  	_ =	strace $0x90000051  }
0xc5: {  	_ =	sfence  }
0xc6: {  	s30 =	sld [smem:$0x0];
	_ =	sdelay $0x2  }
0xc7: {  	s31 =	sshll.u32 s1, $0xD;
	s1 =	sshrl.u32 s1, $0x2  }
0xc8: {  	s4 =	sand.u32 $0x4000, s31;
	s1 =	sadd.s32 s1, s30  }
0xc9: {  	s0 =	sor.u32 s4, s0;
	s1 =	sshll.u32 s1, $0x11  }
0xca: {  	s0 =	sor.u32 s1, s0  }
0xcb: {  	s0 =	sadd.s32 $0x8F2B, s0  }
0xcc: {  	[sflag:s0] =	ssyncadd.remote.s32 $0x1  }
0xcd: {  	_ =	sfence.sel $0xFFFF  }
0xce: {  	[dreg:$0x0] =	wrdreg $0xFFFFFFFF;
	(pc) =	sbr.abs _section_cstart, $3  }
0xcf: {  	[dreg:$0x1] =	wrdreg $0xFFFFFFFF  }
0xd0: {  	_ =	task.clear_ibuf [dreg:s22], $0x2FFFF;
	_ =	strace $0x9FFFFFFF  }
0xd1: {  	(tm) =	ssettm $0x7FFFFFFF  }
tec
execute0_lowered:
.L_overlay_start_1:
0x0: {  	(tag) =	ssettag $0x1  }
0x1: {  	s0 =	rddreg [dreg:$0x0]  }
0x2: {  	s2 =	rddreg [dreg:$0x1]  }
0x3: {  	s23 =	stileid.u32;
	s1 =	srdreg.scid  }
0x4: {  	s3 =	simm.s32 $0x0;
	s28 =	simm.s32 $0x2;
	s4 =	smul.u32 $0x1F4, s23  }
0x5: {  	s29 =	simm.s32 $0x100;
	s30 =	simm.s32 $0xC8;
	s7 =	smul.u32 $0x14000, s23  }
0x6: {  	s31 =	simm.s32 $0x1;
	s1 =	sand.u32 $0x1, s1;
	s18 =	smul.u32 $0x50000, s23  }
0x7: {  	[smem:$0x7FF] =	sst s3;
	s8 =	sadd.s32 $0x182A00, s0;
	s26 =	smul.u32 $0xFA00, s23  }
0x8: {  	s5 =	smul.u32 $0x138800, s1;
	_ =	strace $0x80000050;
	s6 =	ssub.s32 $0x2, s1  }
0x9: {  	p0 =	seq.s32 s1, $0x1;
	s4 =	sadd.s32 s4, s0;
	s9 =	sshrl.u32 s6, $0x1  }
0xa: {  	s20 =	sshrl.u32 s18, $0x2;
	s7 =	sadd.s32 s7, s5;
	s5 =	sshrl.u32 s5, $0x3  }
0xb: {  	s6 =	ssub.s32 s6, s9;
	s19 =	sshrl.u32 s7, $0x3;
	s21 =	sadd.s32 s8, s5  }
0xc: {  	s5 =	sadd.s32 s20, s2;
	s7 =	sadd.s32 $0x12C000, s2;
	s24 =	smax.u32 s6, $0x1  }
0xd: {  	s1 =	sadd.s32 s8, s19;
	s22 =	sadd.s32 $0x25800, s21;
	[dreg:$0x5] =	wrdreg s24  }
0xe: {  	s25 =	sadd.s32 $0x1400, s5;
	s10 =	sadd.s32 $0x2800, s5;
	s11 =	sadd.s32 $0x3C00, s5  }
0xf: {  	s12 =	sadd.s32 $0x5000, s5;
	s13 =	sadd.s32 $0x8C00, s5;
	s14 =	sadd.s32 $0xA000, s5  }
0x10: {  	s15 =	sadd.s32 $0xB400, s5;
	s16 =	sadd.s32 $0xC800, s5;
	s17 =	sadd.s32 $0xDC00, s5  }
0x11: {  	s18 =	sadd.s32 $0xF000, s5;
	s19 =	sadd.s32 $0x10400, s5;
	[dreg:$0x3] =	wrdreg s1  }
0x12: {  	s20 =	sadd.s32 $0x11800, s5;
	s21 =	sadd.s32 $0x12C00, s5;
	[dreg:$0x4] =	wrdreg s22  }
0x13: {  	s24 =	sadd.s32 $0x6400, s5;
	[dreg:$0x6] =	wrdreg s25;
	s1 =	simm.s32 $0x56AA00  }
0x14: {  	s25 =	sadd.s32 $0x180A00, s4;
	s1 =	simm.s32 @!p0 $0x55C00;
	p0 =	seq.s32 s23, $0xF  }
0x15: {  	s23 =	sadd.s32 $0x7800, s5;
	s0 =	sadd.s32 s1, s0;
	s1 =	sadd.s32 $0x12D400, s2  }
0x16: {  	s23 =	smov.u32 @p0 s7;
	s22 =	sadd.s32 s26, s0;
	s0 =	sadd.s32 $0x12E800, s2  }
0x17: {  	s13 =	smov.u32 @p0 s1;
	s1 =	sadd.s32 $0x12FC00, s2;
	s26 =	simm.s32 $0x6500  }
0x18: {  	s14 =	smov.u32 @p0 s0;
	s0 =	sadd.s32 $0x131000, s2;
	s15 =	smov.u32 @p0 s1  }
0x19: {  	s1 =	sadd.s32 $0x132400, s2;
	s16 =	smov.u32 @p0 s0;
	s0 =	sadd.s32 $0x133800, s2  }
0x1a: {  	s17 =	smov.u32 @p0 s1;
	s1 =	sadd.s32 $0x134C00, s2;
	s18 =	smov.u32 @p0 s0  }
0x1b: {  	s0 =	sadd.s32 $0x136000, s2;
	s19 =	smov.u32 @p0 s1;
	s1 =	sadd.s32 $0x137400, s2  }
0x1c: {  	v0 =	vimm.f32 $0.0e+00;
	s20 =	smov.u32 @p0 s0;
	s21 =	smov.u32 @p0 s1;
	s0 =	simm.s32 $0x0  }
.LBB2_1:
0x1d: {  	s1 =	simm.s32 $0x70;
	s4 =	simm.s32 $0x3C0  }
.LBB2_2:
0x1e: {  	p1 =	sne.s32 s4, $0x4FC0;
	[tilespmem:s1+$0x6500] =	vst v0  }
0x1f: {  	[tilespmem:s1+$0x6490] =	vst v0  }
0x20: {  	[tilespmem:s1+$0x64A0] =	vst v0  }
.Ltmp0:
0x21: {  	[tilespmem:s1+$0x64B0] =	vst v0;
	(pc) =	sbr.rel @p1 .LBB2_2-.Ltmp0, $4  }
0x22: {  	[tilespmem:s1+$0x64C0] =	vst v0  }
0x23: {  	[tilespmem:s1+$0x64D0] =	vst v0  }
0x24: {  	[tilespmem:s1+$0x64E0] =	vst v0  }
0x25: {  	[tilespmem:s1+$0x64F0] =	vst v0;
	s1 =	sshra.s32 s4, $0x2;
	s4 =	sadd.s32 $0x200, s4  }
0x26: {  	[tilespmem:s1+$0x6500] =	vst v0  }
0x27: {  	[tilespmem:s1+$0x6490] =	vst v0  }
0x28: {  	[tilespmem:s1+$0x64A0] =	vst v0  }
0x29: {  	[tilespmem:s1+$0x64B0] =	vst v0  }
0x2a: {  	[tilespmem:s1+$0x64C0] =	vst v0  }
0x2b: {  	[tilespmem:s1+$0x64D0] =	vst v0  }
0x2c: {  	[tilespmem:s1+$0x64E0] =	vst v0  }
0x2d: {  	[tilespmem:s1+$0x64F0] =	vst v0;
	s1 =	simm.s32 @!p0 $0x6500;
	s4 =	simm.s32 @!p0 $0x2  }
0x2e: {  	[spmem:s5] =	stream.linear.scatter @!p0 [tilespmem:s1], [sflag:$0x2], $0x1400, $0x38;
	[tilespmem:$0x1B180] =	vst v63  }
0x2f: {  	_ =	swait.ge @!p0 [sflag:s4], $0x1400  }
0x30: {  	[sflag:s4] =	ssyncset.done @!p0 $0x0  }
0x31: {  	s6 =	rddreg [dreg:$0x6];
	[sflag:s4] =	ssyncadd.s32 @!p0 $0xFFFFEC00  }
0x32: {  	[spmem:s6] =	stream.linear.scatter @!p0 [tilespmem:s1], [sflag:$0x2], $0x1400, $0x38;
	[tilespmem:$0x1B180] =	vst v63  }
0x33: {  	_ =	swait.ge @!p0 [sflag:s4], $0x1400  }
0x34: {  	[sflag:s4] =	ssyncset.done @!p0 $0x0  }
0x35: {  	[sflag:s4] =	ssyncadd.s32 @!p0 $0xFFFFEC00  }
0x36: {  	[spmem:s10] =	stream.linear.scatter @!p0 [tilespmem:s1], [sflag:$0x2], $0x1400, $0x38;
	[tilespmem:$0x1B180] =	vst v63  }
0x37: {  	_ =	swait.ge @!p0 [sflag:s4], $0x1400  }
0x38: {  	[sflag:s4] =	ssyncset.done @!p0 $0x0  }
0x39: {  	[sflag:s4] =	ssyncadd.s32 @!p0 $0xFFFFEC00  }
0x3a: {  	[spmem:s11] =	stream.linear.scatter @!p0 [tilespmem:s1], [sflag:$0x2], $0x1400, $0x38;
	[tilespmem:$0x1B180] =	vst v63  }
0x3b: {  	_ =	swait.ge @!p0 [sflag:s4], $0x1400  }
0x3c: {  	[sflag:s4] =	ssyncset.done @!p0 $0x0  }
0x3d: {  	[sflag:s4] =	ssyncadd.s32 @!p0 $0xFFFFEC00  }
0x3e: {  	[spmem:s12] =	stream.linear.scatter @!p0 [tilespmem:s1], [sflag:$0x2], $0x1400, $0x38;
	[tilespmem:$0x1B180] =	vst v63  }
0x3f: {  	_ =	swait.ge @!p0 [sflag:s4], $0x1400  }
0x40: {  	[sflag:s4] =	ssyncset.done @!p0 $0x0  }
0x41: {  	[sflag:s4] =	ssyncadd.s32 @!p0 $0xFFFFEC00  }
0x42: {  	[spmem:s24] =	stream.linear.scatter @!p0 [tilespmem:s1], [sflag:$0x2], $0x1400, $0x38;
	[tilespmem:$0x1B180] =	vst v63  }
0x43: {  	_ =	swait.ge @!p0 [sflag:s4], $0x1400  }
0x44: {  	[sflag:s4] =	ssyncset.done @!p0 $0x0  }
0x45: {  	[sflag:s4] =	ssyncadd.s32 @!p0 $0xFFFFEC00  }
0x46: {  	[spmem:s23] =	stream.linear.scatter [tilespmem:s26], [sflag:$0x2], $0x1400, $0x38;
	[tilespmem:$0x1B180] =	vst v63  }
0x47: {  	_ =	swait.ge [sflag:s28], $0x1400  }
0x48: {  	[sflag:s28] =	ssyncset.done $0x0  }
0x49: {  	[sflag:s28] =	ssyncadd.s32 $0xFFFFEC00  }
0x4a: {  	[spmem:s13] =	stream.linear.scatter [tilespmem:s26], [sflag:$0x2], $0x1400, $0x38;
	[tilespmem:$0x1B180] =	vst v63  }
0x4b: {  	_ =	swait.ge [sflag:s28], $0x1400  }
0x4c: {  	[sflag:s28] =	ssyncset.done $0x0  }
0x4d: {  	[sflag:s28] =	ssyncadd.s32 $0xFFFFEC00  }
0x4e: {  	[spmem:s14] =	stream.linear.scatter [tilespmem:s26], [sflag:$0x2], $0x1400, $0x38;
	[tilespmem:$0x1B180] =	vst v63  }
0x4f: {  	_ =	swait.ge [sflag:s28], $0x1400  }
0x50: {  	[sflag:s28] =	ssyncset.done $0x0  }
0x51: {  	[sflag:s28] =	ssyncadd.s32 $0xFFFFEC00  }
0x52: {  	[spmem:s15] =	stream.linear.scatter [tilespmem:s26], [sflag:$0x2], $0x1400, $0x38;
	[tilespmem:$0x1B180] =	vst v63  }
0x53: {  	_ =	swait.ge [sflag:s28], $0x1400  }
0x54: {  	[sflag:s28] =	ssyncset.done $0x0  }
0x55: {  	[sflag:s28] =	ssyncadd.s32 $0xFFFFEC00  }
0x56: {  	[spmem:s16] =	stream.linear.scatter [tilespmem:s26], [sflag:$0x2], $0x1400, $0x38;
	[tilespmem:$0x1B180] =	vst v63  }
0x57: {  	_ =	swait.ge [sflag:s28], $0x1400  }
0x58: {  	[sflag:s28] =	ssyncset.done $0x0  }
0x59: {  	[sflag:s28] =	ssyncadd.s32 $0xFFFFEC00  }
0x5a: {  	[spmem:s17] =	stream.linear.scatter [tilespmem:s26], [sflag:$0x2], $0x1400, $0x38;
	[tilespmem:$0x1B180] =	vst v63  }
0x5b: {  	_ =	swait.ge [sflag:s28], $0x1400  }
0x5c: {  	[sflag:s28] =	ssyncset.done $0x0  }
0x5d: {  	[sflag:s28] =	ssyncadd.s32 $0xFFFFEC00  }
0x5e: {  	[spmem:s18] =	stream.linear.scatter [tilespmem:s26], [sflag:$0x2], $0x1400, $0x38;
	[tilespmem:$0x1B180] =	vst v63  }
0x5f: {  	_ =	swait.ge [sflag:s28], $0x1400  }
0x60: {  	[sflag:s28] =	ssyncset.done $0x0  }
0x61: {  	[sflag:s28] =	ssyncadd.s32 $0xFFFFEC00  }
0x62: {  	[spmem:s19] =	stream.linear.scatter [tilespmem:s26], [sflag:$0x2], $0x1400, $0x38;
	[tilespmem:$0x1B180] =	vst v63  }
0x63: {  	_ =	swait.ge [sflag:s28], $0x1400  }
0x64: {  	[sflag:s28] =	ssyncset.done $0x0  }
0x65: {  	[sflag:s28] =	ssyncadd.s32 $0xFFFFEC00  }
0x66: {  	[spmem:s20] =	stream.linear.scatter [tilespmem:s26], [sflag:$0x2], $0x1400, $0x38;
	[tilespmem:$0x1B180] =	vst v63  }
0x67: {  	_ =	swait.ge [sflag:s28], $0x1400  }
0x68: {  	[sflag:s28] =	ssyncset.done $0x0  }
0x69: {  	[sflag:s28] =	ssyncadd.s32 $0xFFFFEC00  }
0x6a: {  	[spmem:s21] =	stream.linear.scatter [tilespmem:s26], [sflag:$0x2], $0x1400, $0x38;
	[tilespmem:$0x1B180] =	vst v63  }
0x6b: {  	_ =	swait.ge [sflag:s28], $0x1400  }
0x6c: {  	[sflag:s28] =	ssyncset.done $0x0  }
0x6d: {  	[sflag:s28] =	ssyncadd.s32 $0xFFFFEC00  }
0x6e: {  	s9 =	sadd.s32 $0x0, s25;
	[bflag:$0x0] =	sbarrier.arrive $0xFFFF  }
0x6f: {  	[tilespmem:s3], [sflag:$0x2] =	stream.linear.gather [hbm4b:s9+s3], $0xC8, $0x38;
	[tilespmem:$0x1B180] =	vst v63  }
0x70: {  	_ =	swait.ge [sflag:s28], $0xC8  }
0x71: {  	[sflag:s28] =	ssyncset.done $0x0  }
0x72: {  	[sflag:s28] =	ssyncadd.s32 $0xFFFFFF38  }
0x73: {  	[tilespmem:s29], [sflag:$0x2] =	stream.linear.gather [hbm4b:s22+s3], $0x6400, $0x38;
	[tilespmem:$0x1B180] =	vst v63  }
0x74: {  	_ =	swait.ge [sflag:s28], $0x6400  }
0x75: {  	[sflag:s28] =	ssyncset.done $0x0  }
0x76: {  	[sflag:s28] =	ssyncadd.s32 $0xFFFF9C00  }
0x77: {  	[spmem:s2] =	stream.indirect.scatter.add.f32 [tilespmem:s29], [sflag:$0x1], $0x80, s3, s30, $0xb8;
	[tilespmem:$0x1B180] =	vst v63  }
0x78: {  	s6 =	simm.s32 $0x32;
	_ =	swait.ge [sflag:s31], $0x6400  }
0x79: {  	s1 =	sadd.s32 $0xC80, s22;
	s4 =	simm.s32 $0x19;
	[sflag:s31] =	ssyncset.done $0x0  }
.LBB2_4:
0x7a: {  	s8 =	sadd.s32 s4, s25  }
0x7b: {  	[sflag:s31] =	ssyncadd.s32 $0xFFFF9C00;
	s4 =	smov.u32 s6;
	s9 =	sadd.s32 $0x19, s6  }
0x7c: {  	[tilespmem:s3], [sflag:$0x2] =	stream.linear.gather [hbm4b:s8+s3], $0xC8, $0x38;
	[tilespmem:$0x1B180] =	vst v63  }
0x7d: {  	p1 =	sne.s32 s6, $0x1DB;
	_ =	swait.ge [sflag:s28], $0xC8  }
0x7e: {  	[sflag:s28] =	ssyncset.done $0x0  }
0x7f: {  	[sflag:s28] =	ssyncadd.s32 $0xFFFFFF38  }
0x80: {  	[tilespmem:s29], [sflag:$0x2] =	stream.linear.gather [hbm4b:s1+s3], $0x6400, $0x38;
	[tilespmem:$0x1B180] =	vst v63  }
0x81: {  	_ =	swait.ge [sflag:s28], $0x6400  }
.Ltmp1:
0x82: {  	[sflag:s28] =	ssyncset.done $0x0;
	(pc) =	sbr.rel @p1 .LBB2_4-.Ltmp1, $4  }
0x83: {  	[sflag:s28] =	ssyncadd.s32 $0xFFFF9C00  }
0x84: {  	[spmem:s2] =	stream.indirect.scatter.add.f32 [tilespmem:s29], [sflag:$0x1], $0x80, s3, s30, $0xb8;
	[tilespmem:$0x1B180] =	vst v63  }
0x85: {  	_ =	swait.ge [sflag:s31], $0x6400  }
0x86: {  	s6 =	smov.u32 s9;
	s1 =	sadd.s32 $0xC80, s1;
	[sflag:s31] =	ssyncset.done $0x0  }
0x87: {  	s4 =	sadd.s32 s4, s25;
	[sflag:s31] =	ssyncadd.s32 $0xFFFF9C00  }
0x88: {  	[tilespmem:s3], [sflag:$0x2] =	stream.linear.gather [hbm4b:s4+s3], $0xC8, $0x38;
	[tilespmem:$0x1B180] =	vst v63  }
0x89: {  	_ =	swait.ge [sflag:s28], $0xC8  }
0x8a: {  	[sflag:s28] =	ssyncset.done $0x0  }
0x8b: {  	[sflag:s28] =	ssyncadd.s32 $0xFFFFFF38  }
0x8c: {  	[tilespmem:s29], [sflag:$0x2] =	stream.linear.gather [hbm4b:s1+s3], $0x6400, $0x38;
	[tilespmem:$0x1B180] =	vst v63  }
0x8d: {  	_ =	swait.ge [sflag:s28], $0x6400  }
0x8e: {  	[sflag:s28] =	ssyncset.done $0x0  }
0x8f: {  	[sflag:s28] =	ssyncadd.s32 $0xFFFF9C00  }
0x90: {  	[spmem:s2] =	stream.indirect.scatter.add.f32 [tilespmem:s29], [sflag:$0x1], $0x80, s3, s30, $0xb8;
	[tilespmem:$0x1B180] =	vst v63  }
0x91: {  	_ =	swait.ge [sflag:s31], $0x6400  }
0x92: {  	[sflag:s31] =	ssyncset.done $0x0  }
0x93: {  	[sflag:s31] =	ssyncadd.s32 $0xFFFF9C00  }
0x94: {  	[bflag:$0x0] =	sbarrier.arrive $0xFFFF  }
0x95: {  	s4 =	simm.s32 @p0 $0x1FC2;
	s1 =	sshrl.u32 @p0 s7, $0x3;
	s6 =	rddreg [dreg:$0x4]  }
0x96: {  	[hbm:s6], [sflag:s4] =	dma.local @p0 [spmem:s1], $0x1900  }
0x97: {  	s1 =	simm.s32 @p0 $0x2  }
0x98: {  	s4 =	stileid.u32;
	_ =	swait.ge @p0 [sflag:s1], $0x1900  }
0x99: {  	s4 =	sshll.u32 @!p0 s4, $0x6;
	[sflag:s1] =	ssyncset.done @p0 $0x0;
	s6 =	rddreg [dreg:$0x3]  }
0x9a: {  	[sflag:s1] =	ssyncadd.s32 @p0 $0xFFFFE700;
	s1 =	sor.u32 @!p0 $0x1C02, s4;
	s4 =	sshrl.u32 @!p0 s5, $0x3  }
0x9b: {  	[hbm:s6], [sflag:s1] =	dma.local @!p0 [spmem:s4], $0x2800  }
0x9c: {  	s1 =	simm.s32 @!p0 $0x2  }
0x9d: {  	_ =	swait.ge @!p0 [sflag:s1], $0x2800  }
0x9e: {  	s0 =	sadd.s32 $0x1, s0;
	s9 =	rddreg [dreg:$0x5]  }
0x9f: {  	p1 =	sne.s32 s0, s9  }
.Ltmp2:
0xa0: {  	_ = 	snop;
	(pc) =	sbr.rel @p1 .LBB2_1-.Ltmp2, $3  }
0xa1: {  	_ =	sdelay $0x1  }
0xa2: {  	[sflag:s1] =	ssyncset.done @!p0 $0x0  }
0xa3: {  	[sflag:s1] =	ssyncadd.s32 @!p0 $0xFFFFD800  }
0xa4: {  	_ =	sfence.sel $0x180000  }
0xa5: {  	[bflag:$0x0] =	sbarrier.arrive $0xFFFF  }
0xa6: {  	_ =	strace $0x90000050  }
0xa7: {  	s0 =	stileid.u32;
	[bflag:$0x2] =	sbarrier.arrive $0xFFFF  }
0xa8: {  	p0 =	sne.s32 s0, $0x0;
	s0 =	rddreg [dreg:$0x2]  }
0xa9: {  	s0 =	sadd.s32 @!p0 $0x100000, s0  }
0xaa: {  	[sflag:s0] =	ssyncadd.tile.s32 @!p0 $0x1;
	_ =	shalt  }
.Lfunc_end2:
_tile_overlayer_lowered:
.L_overlay_start_2:
0xab: {  	(tag) =	ssettag $0x2  }
0xac: {  	s0 =	rddreg [dreg:$0x0];
	s2 =	stileid.u32  }
0xad: {  	s1 =	rddreg [dreg:$0x1];
	p0 =	sne.s32 s2, $0x0  }
0xae: {  	s3 =	rddreg [dreg:$0x2];
	[bflag:$0x3] =	sbarrier.arrive $0xFFFF;
	s2 =	simm.s32 @!p0 $0x1C02  }
0xaf: {  	[timem:s3], [sflag:s2] =	dma.local @!p0 [hbm:s0], s1  }
0xb0: {  	s0 =	simm.s32 @!p0 $0x2  }
0xb1: {  	_ =	swait.ge @!p0 [sflag:s0], s1  }
0xb2: {  	s1 =	ssub.s32 @!p0 $0x0, s1;
	[sflag:s0] =	ssyncset.done @!p0 $0x0  }
0xb3: {  	[sflag:s0] =	ssyncadd.s32 @!p0 s1  }
0xb4: {  	[bflag:$0x3] =	sbarrier.arrive $0xFFFF  }
0xb5: {  	_ =	shalt  }

</sc_bundles>
